<compile_context>
chip_gen: v7x
topology: tpu7x:2x2x1
jax: 0.10.2.dev20260603
libtpu: 0.0.44.dev20260713+nightly
codegen_flags: <defaults>
</compile_context>

<pallas_src>
import jax
import jax.numpy as jnp
from jax import lax
from jax.experimental import pallas as pl
from jax.experimental.pallas import tpu as pltpu
from jax.experimental.pallas import tpu_sc as plsc

_N = 10000
_E = 320000
_HID = 128
_OUT = 10
_G = 64

_RB = 1000
_GRID = _N // _RB

_NC, _NS = 2, 16
_K = 125
_EPT = _E // (_NC * _NS)
_CHUNKS = _EPT // _K
_GP = 8
_NGRP = _CHUNKS // _GP
_NPAD = 10240
_RPT = _NPAD // _NS
_RCH = 80


def _tc1_body(x_ref, w_ref, xw_ref, t_ref):
    xw = jnp.dot(x_ref[...], w_ref[...], preferred_element_type=jnp.float32)
    xw_ref[...] = xw
    t_ref[...] = jnp.tanh(jnp.maximum(xw, 0.0))


def _tc1(x, w_self_t):
    return pl.pallas_call(
        _tc1_body,
        grid=(_GRID,),
        in_specs=[
            pl.BlockSpec((_RB, _HID), lambda i: (i, 0)),
            pl.BlockSpec((_HID, _HID), lambda i: (0, 0)),
        ],
        out_specs=[
            pl.BlockSpec((_RB, _HID), lambda i: (i, 0)),
            pl.BlockSpec((_RB, _HID), lambda i: (i, 0)),
        ],
        out_shape=[
            jax.ShapeDtypeStruct((_N, _HID), jnp.float32),
            jax.ShapeDtypeStruct((_N, _HID), jnp.float32),
        ],
    )(x, w_self_t)


def _sc_body(e_ref, t_ref, out_ref, sia, dia, sib, dib, gba, gbb,
             acc, semga, semgb, semsa, semsb, semi):
    cid = lax.axis_index("c")
    sid = lax.axis_index("s")
    src_ref = e_ref.at[0]
    dst_ref = e_ref.at[1]

    def _zrow(r, c0):
        def _zcol(c, c1):
            gba[r, pl.ds(c * 16, 16)] = jnp.zeros((16,), jnp.float32)
            return c1
        return lax.fori_loop(0, _HID // 16, _zcol, c0)

    lax.fori_loop(0, _RCH, _zrow, 0)

    def _zslice(q, c0):
        pltpu.sync_copy(gba.at[pl.ds(0, _RCH)],
                        acc.at[pl.ds(sid * _RPT + q * _RCH, _RCH)])
        return c0

    lax.fori_loop(0, _RPT // _RCH, _zslice, 0)
    plsc.subcore_barrier()

    pltpu.sync_copy(src_ref.at[cid, sid, 0], sia)
    pltpu.sync_copy(dst_ref.at[cid, sid, 0], dia)
    pltpu.async_copy(t_ref.at[sia.at[0]], gba, semga)

    def _do_group(cs, cd, crossing, skip_pred):
        for r in range(_GP):
            if r % 2 == 0:
                buf, semg, sems = gba, semga, semsa
                obuf, osemg, osems = gbb, semgb, semsb
            else:
                buf, semg, sems = gbb, semgb, semsb
                obuf, osemg, osems = gba, semga, semsa
            pltpu.make_async_copy(t_ref.at[cs.at[r]], buf, semg).wait()
            pltpu.async_copy(buf, acc.at[cd.at[r]], sems, add=True)

            def _wait_prev(ob=obuf, os=osems, rr=r):
                pltpu.make_async_copy(ob, acc.at[cd.at[rr]], os).wait()

            if r == 0 and skip_pred is not None:
                @pl.when(jnp.logical_not(skip_pred))
                def _():
                    _wait_prev()
            else:
                _wait_prev()
            if r < _GP - 1:
                pltpu.async_copy(t_ref.at[cs.at[r + 1]], obuf, osemg)
            elif crossing is not None:
                crossing()

    def _cross(ns, nd):
        pltpu.make_async_copy(src_ref.at[cid, sid, 0], ns, semi).wait()
        pltpu.make_async_copy(dst_ref.at[cid, sid, 0], nd, semi).wait()
        pltpu.async_copy(t_ref.at[ns.at[0]], gba, semga)

    def _pairbody(gg, c0):
        g0 = 2 * gg
        pltpu.async_copy(src_ref.at[cid, sid, g0 + 1], sib, semi)
        pltpu.async_copy(dst_ref.at[cid, sid, g0 + 1], dib, semi)
        _do_group(sia, dia, lambda: _cross(sib, dib), gg == 0)

        @pl.when(gg < _NGRP // 2 - 1)
        def _():
            pltpu.async_copy(src_ref.at[cid, sid, g0 + 2], sia, semi)
            pltpu.async_copy(dst_ref.at[cid, sid, g0 + 2], dia, semi)

        def _cross_if_more():
            @pl.when(gg < _NGRP // 2 - 1)
            def _():
                _cross(sia, dia)

        _do_group(sib, dib, _cross_if_more, None)
        return c0

    lax.fori_loop(0, _NGRP // 2, _pairbody, 0)
    pltpu.make_async_copy(gbb, acc.at[dib.at[_GP - 1]], semsb).wait()
    plsc.subcore_barrier()

    def _cp(q, c0):
        r0 = sid * _RPT + q * _RCH
        pltpu.sync_copy(acc.at[pl.ds(r0, _RCH)], gba.at[pl.ds(0, _RCH)])
        pltpu.sync_copy(gba.at[pl.ds(0, _RCH)], out_ref.at[cid, pl.ds(r0, _RCH)])
        return c0

    lax.fori_loop(0, _RPT // _RCH, _cp, 0)


def _sc_scatter(e6, t):
    mesh = plsc.VectorSubcoreMesh(core_axis_name="c", subcore_axis_name="s")
    f = pl.kernel(
        _sc_body,
        mesh=mesh,
        out_type=jax.ShapeDtypeStruct((_NC, _NPAD, _HID), jnp.float32),
        scratch_types=[
            pltpu.VMEM((_GP, _K), jnp.int32),
            pltpu.VMEM((_GP, _K), jnp.int32),
            pltpu.VMEM((_GP, _K), jnp.int32),
            pltpu.VMEM((_GP, _K), jnp.int32),
            pltpu.VMEM((_K, _HID), jnp.float32),
            pltpu.VMEM((_K, _HID), jnp.float32),
            pltpu.VMEM_SHARED((_NPAD, _HID), jnp.float32),
            pltpu.SemaphoreType.DMA,
            pltpu.SemaphoreType.DMA,
            pltpu.SemaphoreType.DMA,
            pltpu.SemaphoreType.DMA,
            pltpu.SemaphoreType.DMA,
        ],
    )
    return f(e6, t)


def _tc2_body(xw_ref, agg_ref, wn_ref, b_ref, wp_ref, bp_ref, out_ref,
              pooled, counts):
    i = pl.program_id(0)

    @pl.when(i == 0)
    def _():
        pooled[...] = jnp.zeros_like(pooled)
        counts[...] = jnp.zeros_like(counts)

    agg = agg_ref[0] + agg_ref[1]
    o = jnp.maximum(
        xw_ref[...]
        + jnp.dot(jnp.tanh(agg), wn_ref[...], preferred_element_type=jnp.float32),
        0.0,
    )
    b = b_ref[0, 0, :]
    onehot = (lax.broadcasted_iota(jnp.int32, (_G, _RB), 0) == b[None, :])
    onehot = onehot.astype(jnp.float32)
    pooled[...] += jnp.dot(onehot, o, preferred_element_type=jnp.float32)
    counts[...] += jnp.sum(onehot, axis=1, keepdims=True)

    @pl.when(i == _GRID - 1)
    def _():
        pm = pooled[...] / jnp.maximum(counts[...], 1.0)
        logits = jnp.dot(pm, wp_ref[...], preferred_element_type=jnp.float32)
        logits = logits + bp_ref[...]
        m = jnp.max(logits, axis=-1, keepdims=True)
        lse = jnp.log(jnp.sum(jnp.exp(logits - m), axis=-1, keepdims=True)) + m
        out_ref[...] = logits - lse


def _tc2(xw, agg2, w_nbr_t, batch_r, w_pred_t, b_pred_r):
    return pl.pallas_call(
        _tc2_body,
        grid=(_GRID,),
        in_specs=[
            pl.BlockSpec((_RB, _HID), lambda i: (i, 0)),
            pl.BlockSpec((_NC, _RB, _HID), lambda i: (0, i, 0)),
            pl.BlockSpec((_HID, _HID), lambda i: (0, 0)),
            pl.BlockSpec((1, 1, _RB), lambda i: (i, 0, 0)),
            pl.BlockSpec((_HID, _OUT), lambda i: (0, 0)),
            pl.BlockSpec((1, _OUT), lambda i: (0, 0)),
        ],
        out_specs=pl.BlockSpec((_G, _OUT), lambda i: (0, 0)),
        out_shape=jax.ShapeDtypeStruct((_G, _OUT), jnp.float32),
        scratch_shapes=[
            pltpu.VMEM((_G, _HID), jnp.float32),
            pltpu.VMEM((_G, 1), jnp.float32),
        ],
    )(xw, agg2, w_nbr_t, batch_r, w_pred_t, b_pred_r)


def kernel(x, edge_index, batch, W_self, W_nbr, W_pred, b_pred):
    xw, t = _tc1(x, W_self.T)
    e6 = edge_index.reshape(2, _NC, _NS, _NGRP, _GP, _K)
    agg2 = _sc_scatter(e6, t)
    batch_r = batch.reshape(_GRID, 1, _RB)
    return _tc2(xw, agg2, W_nbr.T, batch_r, W_pred.T, b_pred.reshape(1, _OUT))

# --- scband reference (transcript-rebuilt; emitter-appended) ---
"""Pipeline reference for scband-mpgnn-26929444946579 (READ-ONLY COPY).

The authoritative reference and input builder live on the scoring server;
editing this copy changes nothing except your own understanding.
"""

import jax, jax.numpy as jnp
import numpy as np

N = 10000
E = 320000
IN_CH = 128
HID = 128
OUT_CH = 10
NUM_GRAPHS = 64
NUM_LAYERS = 3


def setup_inputs(seed: int = 0) -> dict:
    key = jax.random.key(seed)
    k1, k2, k3, k4, k5, k6, k7 = jax.random.split(key, 7)
    x = jax.random.normal(k1, (N, IN_CH), dtype=jnp.float32)
    edge_index = jax.random.randint(k2, (2, E), 0, N, dtype=jnp.int32)
    batch = jnp.sort(jax.random.randint(k3, (N,), 0, NUM_GRAPHS, dtype=jnp.int32))
    # Learned parameters (kaiming-uniform-ish init like torch Linear)
    lim_self = 1.0 / np.sqrt(IN_CH)
    lim_nbr = 1.0 / np.sqrt(HID)
    lim_pred = 1.0 / np.sqrt(HID)
    W_self = jax.random.uniform(k4, (HID, IN_CH), minval=-lim_self, maxval=lim_self, dtype=jnp.float32)
    W_nbr = jax.random.uniform(k5, (HID, HID), minval=-lim_nbr, maxval=lim_nbr, dtype=jnp.float32)
    W_pred = jax.random.uniform(k6, (OUT_CH, HID), minval=-lim_pred, maxval=lim_pred, dtype=jnp.float32)
    b_pred = jax.random.uniform(k7, (OUT_CH,), minval=-lim_pred, maxval=lim_pred, dtype=jnp.float32)
    return {"x": x, "edge_index": edge_index, "batch": batch,
            "W_self": W_self, "W_nbr": W_nbr, "W_pred": W_pred, "b_pred": b_pred}


def reference(x, edge_index, batch, W_self, W_nbr, W_pred, b_pred):
    # eval mode: dropout is a no-op (p=0.0 anyway)
    src = edge_index[0]
    dst = edge_index[1]
    n = x.shape[0]
    h = jnp.zeros((n, HID), dtype=x.dtype)
    for _ in range(NUM_LAYERS - 1):
        # CustomizedGraphConv: message = tanh(x_j), aggr='add'
        msg = jnp.tanh(h[src])                          # gather over edges
        agg = jax.ops.segment_sum(msg, dst, num_segments=n)  # scatter-add
        out = jnp.tanh(agg)
        out = jax.nn.relu(x @ W_self.T + out @ W_nbr.T)
        h = jax.nn.relu(out)
    # global_mean_pool over graph ids
    sums = jax.ops.segment_sum(h, batch, num_segments=NUM_GRAPHS)
    counts = jax.ops.segment_sum(jnp.ones((n,), x.dtype), batch, num_segments=NUM_GRAPHS)
    pooled = sums / jnp.maximum(counts, 1.0)[:, None]
    logits = pooled @ W_pred.T + b_pred
    return jax.nn.log_softmax(logits, axis=-1)

if __name__ == "__main__":
    import jax
    _d = setup_inputs()
    print(jax.jit(kernel)(*tuple(_d.values())))

</pallas_src>

<mosaic_0001>
#map = affine_map<(d0, d1) -> (0, 0, 0, 0, 0, 0)>
#map1 = affine_map<(d0, d1) -> (0, 0)>
#map2 = affine_map<(d0, d1) -> (0, 0, 0)>
module attributes {stable_mosaic.version = 14 : i64} {
  func.func @_sc_body(%arg0: i32, %arg1: i32, %arg2: memref<2x2x16x10x8x125xi32, #tpu.memory_space<hbm>>, %arg3: memref<10000x128xf32, #tpu.memory_space<hbm>>, %arg4: memref<2x10240x128xf32, #tpu.memory_space<hbm>>, %arg5: memref<8x125xi32, #tpu.memory_space<vmem>>, %arg6: memref<8x125xi32, #tpu.memory_space<vmem>>, %arg7: memref<8x125xi32, #tpu.memory_space<vmem>>, %arg8: memref<8x125xi32, #tpu.memory_space<vmem>>, %arg9: memref<125x128xf32, #tpu.memory_space<vmem>>, %arg10: memref<125x128xf32, #tpu.memory_space<vmem>>, %arg11: memref<10240x128xf32, #tpu.memory_space<vmem_shared>>, %arg12: memref<!tpu.dma_semaphore, #tpu.memory_space<semaphore_mem>>, %arg13: memref<!tpu.dma_semaphore, #tpu.memory_space<semaphore_mem>>, %arg14: memref<!tpu.dma_semaphore, #tpu.memory_space<semaphore_mem>>, %arg15: memref<!tpu.dma_semaphore, #tpu.memory_space<semaphore_mem>>, %arg16: memref<!tpu.dma_semaphore, #tpu.memory_space<semaphore_mem>>) attributes {dimension_semantics = [#tpu.dimension_semantics<core_parallel>, #tpu.dimension_semantics<subcore_parallel>], iteration_bounds = array<i64: 2, 16>, scalar_prefetch = 0 : i64, scratch_operands = 12 : i64, tpu.core_type = #tpu.core_type<sc_vector_subcore>, window_params = [{transform_indices = #map}, {transform_indices = #map1}, {transform_indices = #map2}]} {
    %scan3A = arith.constant 0 : i32
    %scan3A_0 = arith.constant 0 : i32
    %scan3A_1 = arith.constant 80 : i32
    %scan3A_2 = arith.addi %scan3A_0, %scan3A_1 : i32
    %scan3A_3 = arith.constant 1 : i32
    scf.for %scan3A_41 = %scan3A_0 to %scan3A_2 step %scan3A_3  : i32 {
      %scan3A_42 = arith.constant 0 : i32
      %scan3A_43 = arith.constant 8 : i32
      %scan3A_44 = arith.addi %scan3A_42, %scan3A_43 : i32
      %scan3A_45 = arith.constant 1 : i32
      scf.for %scan3A_47 = %scan3A_42 to %scan3A_44 step %scan3A_45  : i32 {
        %broadcast_in_dim3A = arith.constant 0.000000e+00 : f32
        %broadcast_in_dim3A_48 = vector.broadcast %broadcast_in_dim3A : f32 to vector<16xf32>
        %mul3A = arith.constant 16 : i32
        %mul3A_49 = arith.muli %scan3A_47, %mul3A : i32
        %swap3A = arith.index_cast %scan3A_41 : i32 to index
        %swap3A_50 = arith.index_cast %mul3A_49 : i32 to index
        %swap3A_51 = tpu.vector_load %arg9[%swap3A, %swap3A_50] {strides = array<i32>} : memref<125x128xf32, #tpu.memory_space<vmem>>, vector<1x16xf32>,
        %swap3A_52 = vector.shape_cast %swap3A_51 : vector<1x16xf32> to vector<16xf32>
        %swap3A_53 = vector.shape_cast %broadcast_in_dim3A_48 : vector<16xf32> to vector<1x16xf32>
        tpu.vector_store %arg9[%swap3A, %swap3A_50], %swap3A_53 {strides = array<i32>} : memref<125x128xf32, #tpu.memory_space<vmem>>, vector<1x16xf32>,
      }
      %scan3A_46 = arith.constant 8 : i32
    }
    %scan3A_4 = arith.constant 80 : i32
    %scan3A_5 = arith.constant 0 : i32
    %scan3A_6 = arith.constant 0 : i32
    %scan3A_7 = arith.constant 8 : i32
    %scan3A_8 = arith.addi %scan3A_6, %scan3A_7 : i32
    %scan3A_9 = arith.constant 1 : i32
    scf.for %scan3A_41 = %scan3A_6 to %scan3A_8 step %scan3A_9  : i32 {
      %mul3A = arith.constant 640 : i32
      %mul3A_42 = arith.muli %arg1, %mul3A : i32
      %mul3A_43 = arith.constant 80 : i32
      %mul3A_44 = arith.muli %scan3A_41, %mul3A_43 : i32
      %add3A = arith.addi %mul3A_42, %mul3A_44 : i32
      "tpu.region"() ({
        %run_scoped3A_45 = tpu.sem_alloc : memref<!tpu.dma_semaphore, #tpu.memory_space<semaphore_mem>>
        %dma_start3A_46 = arith.constant 0 : i32
        %dma_start3A_47 = arith.constant 0 : i32
        %dma_start3A_48 = tpu.memref_slice %arg9[%dma_start3A_46, %dma_start3A_47] : memref<125x128xf32, #tpu.memory_space<vmem>> -> memref<80x128xf32, #tpu.memory_space<vmem>>
        %dma_start3A_49 = arith.constant 0 : i32
        %dma_start3A_50 = tpu.memref_slice %arg11[%add3A, %dma_start3A_49] : memref<10240x128xf32, #tpu.memory_space<vmem_shared>> -> memref<80x128xf32, #tpu.memory_space<vmem_shared>>
        %dma_start3A_51 = arith.constant 0 : i32
        %dma_start3A_52 = tpu.memref_slice %arg11[%add3A, %dma_start3A_51] : memref<10240x128xf32, #tpu.memory_space<vmem_shared>> -> memref<80x128xf32, #tpu.memory_space<vmem_shared>>
        %dma_start3A_53 = arith.constant 0 : i32
        %dma_start3A_54 = arith.constant 0 : i32
        %dma_start3A_55 = tpu.memref_slice %arg9[%dma_start3A_53, %dma_start3A_54] : memref<125x128xf32, #tpu.memory_space<vmem>> -> memref<80x128xf32, #tpu.memory_space<vmem>>
        tpu.enqueue_dma source(%dma_start3A_55 : memref<80x128xf32, #tpu.memory_space<vmem>>) target(%dma_start3A_52 : memref<80x128xf32, #tpu.memory_space<vmem_shared>>) target_semaphore(%run_scoped3A_45 : memref<!tpu.dma_semaphore, #tpu.memory_space<semaphore_mem>>)
        %dma_wait3A_56 = arith.constant 0 : i32
        %dma_wait3A_57 = arith.constant 0 : i32
        %dma_wait3A_58 = tpu.memref_slice %arg9[%dma_wait3A_56, %dma_wait3A_57] : memref<125x128xf32, #tpu.memory_space<vmem>> -> memref<80x128xf32, #tpu.memory_space<vmem>>
        %dma_wait3A_59 = arith.constant 0 : i32
        %dma_wait3A_60 = tpu.memref_slice %arg11[%add3A, %dma_wait3A_59] : memref<10240x128xf32, #tpu.memory_space<vmem_shared>> -> memref<80x128xf32, #tpu.memory_space<vmem_shared>>
        %dma_wait3A_61 = arith.constant 0 : i32
        %dma_wait3A_62 = tpu.memref_slice %arg11[%add3A, %dma_wait3A_61] : memref<10240x128xf32, #tpu.memory_space<vmem_shared>> -> memref<80x128xf32, #tpu.memory_space<vmem_shared>>
        %dma_wait3A_63 = arith.constant 0 : i32
        %dma_wait3A_64 = arith.constant 0 : i32
        %dma_wait3A_65 = tpu.memref_slice %arg9[%dma_wait3A_63, %dma_wait3A_64] : memref<125x128xf32, #tpu.memory_space<vmem>> -> memref<80x128xf32, #tpu.memory_space<vmem>>
        tpu.wait_dma2 semaphore(%run_scoped3A_45 : memref<!tpu.dma_semaphore, #tpu.memory_space<semaphore_mem>>) src(%dma_wait3A_65 : memref<80x128xf32, #tpu.memory_space<vmem>>) dst(%dma_wait3A_62 : memref<80x128xf32, #tpu.memory_space<vmem_shared>>)
        tpu.yield
      }) : () -> ()
    }
    %scan3A_10 = arith.constant 8 : i32
    %barrier3A = arith.constant 0 : index
    tpu.barrier barrier_id(%barrier3A)
    %run_scoped3A = arith.constant 0 : i32
    %run_scoped3A_11 = arith.constant 0 : i32
    "tpu.region"() ({
      %run_scoped3A_41 = tpu.sem_alloc : memref<!tpu.dma_semaphore, #tpu.memory_space<semaphore_mem>>
      %dma_start3A_42 = arith.constant 0 : i32
      %dma_start3A_43 = arith.constant 0 : i32
      %dma_start3A_44 = arith.constant 0 : i32
      %dma_start3A_45 = arith.constant 0 : i32
      %dma_start3A_46 = arith.constant 0 : i32
      %dma_start3A_47 = tpu.memref_slice %arg2[%run_scoped3A, %dma_start3A_42, %dma_start3A_43, %dma_start3A_44, %dma_start3A_45, %dma_start3A_46] : memref<2x2x16x10x8x125xi32, #tpu.memory_space<hbm>> -> memref<1x2x16x10x8x125xi32, #tpu.memory_space<hbm>>
      %dma_start3A_48 = tpu.memref_squeeze %dma_start3A_47 : memref<1x2x16x10x8x125xi32, #tpu.memory_space<hbm>> -> memref<2x16x10x8x125xi32, #tpu.memory_space<hbm>>
      %dma_start3A_49 = arith.constant 0 : i32
      %dma_start3A_50 = arith.constant 0 : i32
      %dma_start3A_51 = tpu.memref_slice %dma_start3A_48[%arg0, %arg1, %run_scoped3A_11, %dma_start3A_49, %dma_start3A_50] : memref<2x16x10x8x125xi32, #tpu.memory_space<hbm>> -> memref<1x1x1x8x125xi32, #tpu.memory_space<hbm>>
      %dma_start3A_52 = tpu.memref_squeeze %dma_start3A_51 : memref<1x1x1x8x125xi32, #tpu.memory_space<hbm>> -> memref<8x125xi32, #tpu.memory_space<hbm>>
      %dma_start3A_53 = arith.constant 0 : i32
      %dma_start3A_54 = arith.constant 0 : i32
      %dma_start3A_55 = arith.constant 0 : i32
      %dma_start3A_56 = arith.constant 0 : i32
      %dma_start3A_57 = arith.constant 0 : i32
      %dma_start3A_58 = tpu.memref_slice %arg2[%run_scoped3A, %dma_start3A_53, %dma_start3A_54, %dma_start3A_55, %dma_start3A_56, %dma_start3A_57] : memref<2x2x16x10x8x125xi32, #tpu.memory_space<hbm>> -> memref<1x2x16x10x8x125xi32, #tpu.memory_space<hbm>>
      %dma_start3A_59 = tpu.memref_squeeze %dma_start3A_58 : memref<1x2x16x10x8x125xi32, #tpu.memory_space<hbm>> -> memref<2x16x10x8x125xi32, #tpu.memory_space<hbm>>
      %dma_start3A_60 = arith.constant 0 : i32
      %dma_start3A_61 = arith.constant 0 : i32
      %dma_start3A_62 = tpu.memref_slice %dma_start3A_59[%arg0, %arg1, %run_scoped3A_11, %dma_start3A_60, %dma_start3A_61] : memref<2x16x10x8x125xi32, #tpu.memory_space<hbm>> -> memref<1x1x1x8x125xi32, #tpu.memory_space<hbm>>
      %dma_start3A_63 = tpu.memref_squeeze %dma_start3A_62 : memref<1x1x1x8x125xi32, #tpu.memory_space<hbm>> -> memref<8x125xi32, #tpu.memory_space<hbm>>
      tpu.enqueue_dma source(%dma_start3A_63 : memref<8x125xi32, #tpu.memory_space<hbm>>) target(%arg5 : memref<8x125xi32, #tpu.memory_space<vmem>>) target_semaphore(%run_scoped3A_41 : memref<!tpu.dma_semaphore, #tpu.memory_space<semaphore_mem>>)
      %dma_wait3A_64 = arith.constant 0 : i32
      %dma_wait3A_65 = arith.constant 0 : i32
      %dma_wait3A_66 = arith.constant 0 : i32
      %dma_wait3A_67 = arith.constant 0 : i32
      %dma_wait3A_68 = arith.constant 0 : i32
      %dma_wait3A_69 = tpu.memref_slice %arg2[%run_scoped3A, %dma_wait3A_64, %dma_wait3A_65, %dma_wait3A_66, %dma_wait3A_67, %dma_wait3A_68] : memref<2x2x16x10x8x125xi32, #tpu.memory_space<hbm>> -> memref<1x2x16x10x8x125xi32, #tpu.memory_space<hbm>>
      %dma_wait3A_70 = tpu.memref_squeeze %dma_wait3A_69 : memref<1x2x16x10x8x125xi32, #tpu.memory_space<hbm>> -> memref<2x16x10x8x125xi32, #tpu.memory_space<hbm>>
      %dma_wait3A_71 = arith.constant 0 : i32
      %dma_wait3A_72 = arith.constant 0 : i32
      %dma_wait3A_73 = tpu.memref_slice %dma_wait3A_70[%arg0, %arg1, %run_scoped3A_11, %dma_wait3A_71, %dma_wait3A_72] : memref<2x16x10x8x125xi32, #tpu.memory_space<hbm>> -> memref<1x1x1x8x125xi32, #tpu.memory_space<hbm>>
      %dma_wait3A_74 = tpu.memref_squeeze %dma_wait3A_73 : memref<1x1x1x8x125xi32, #tpu.memory_space<hbm>> -> memref<8x125xi32, #tpu.memory_space<hbm>>
      %dma_wait3A_75 = arith.constant 0 : i32
      %dma_wait3A_76 = arith.constant 0 : i32
      %dma_wait3A_77 = arith.constant 0 : i32
      %dma_wait3A_78 = arith.constant 0 : i32
      %dma_wait3A_79 = arith.constant 0 : i32
      %dma_wait3A_80 = tpu.memref_slice %arg2[%run_scoped3A, %dma_wait3A_75, %dma_wait3A_76, %dma_wait3A_77, %dma_wait3A_78, %dma_wait3A_79] : memref<2x2x16x10x8x125xi32, #tpu.memory_space<hbm>> -> memref<1x2x16x10x8x125xi32, #tpu.memory_space<hbm>>
      %dma_wait3A_81 = tpu.memref_squeeze %dma_wait3A_80 : memref<1x2x16x10x8x125xi32, #tpu.memory_space<hbm>> -> memref<2x16x10x8x125xi32, #tpu.memory_space<hbm>>
      %dma_wait3A_82 = arith.constant 0 : i32
      %dma_wait3A_83 = arith.constant 0 : i32
      %dma_wait3A_84 = tpu.memref_slice %dma_wait3A_81[%arg0, %arg1, %run_scoped3A_11, %dma_wait3A_82, %dma_wait3A_83] : memref<2x16x10x8x125xi32, #tpu.memory_space<hbm>> -> memref<1x1x1x8x125xi32, #tpu.memory_space<hbm>>
      %dma_wait3A_85 = tpu.memref_squeeze %dma_wait3A_84 : memref<1x1x1x8x125xi32, #tpu.memory_space<hbm>> -> memref<8x125xi32, #tpu.memory_space<hbm>>
      tpu.wait_dma2 semaphore(%run_scoped3A_41 : memref<!tpu.dma_semaphore, #tpu.memory_space<semaphore_mem>>) src(%dma_wait3A_85 : memref<8x125xi32, #tpu.memory_space<hbm>>) dst(%arg5 : memref<8x125xi32, #tpu.memory_space<vmem>>)
      tpu.yield
    }) : () -> ()
    %run_scoped3A_12 = arith.constant 1 : i32
    %run_scoped3A_13 = arith.constant 0 : i32
    "tpu.region"() ({
      %run_scoped3A_41 = tpu.sem_alloc : memref<!tpu.dma_semaphore, #tpu.memory_space<semaphore_mem>>
      %dma_start3A_42 = arith.constant 0 : i32
      %dma_start3A_43 = arith.constant 0 : i32
      %dma_start3A_44 = arith.constant 0 : i32
      %dma_start3A_45 = arith.constant 0 : i32
      %dma_start3A_46 = arith.constant 0 : i32
      %dma_start3A_47 = tpu.memref_slice %arg2[%run_scoped3A_12, %dma_start3A_42, %dma_start3A_43, %dma_start3A_44, %dma_start3A_45, %dma_start3A_46] : memref<2x2x16x10x8x125xi32, #tpu.memory_space<hbm>> -> memref<1x2x16x10x8x125xi32, #tpu.memory_space<hbm>>
      %dma_start3A_48 = tpu.memref_squeeze %dma_start3A_47 : memref<1x2x16x10x8x125xi32, #tpu.memory_space<hbm>> -> memref<2x16x10x8x125xi32, #tpu.memory_space<hbm>>
      %dma_start3A_49 = arith.constant 0 : i32
      %dma_start3A_50 = arith.constant 0 : i32
      %dma_start3A_51 = tpu.memref_slice %dma_start3A_48[%arg0, %arg1, %run_scoped3A_13, %dma_start3A_49, %dma_start3A_50] : memref<2x16x10x8x125xi32, #tpu.memory_space<hbm>> -> memref<1x1x1x8x125xi32, #tpu.memory_space<hbm>>
      %dma_start3A_52 = tpu.memref_squeeze %dma_start3A_51 : memref<1x1x1x8x125xi32, #tpu.memory_space<hbm>> -> memref<8x125xi32, #tpu.memory_space<hbm>>
      %dma_start3A_53 = arith.constant 0 : i32
      %dma_start3A_54 = arith.constant 0 : i32
      %dma_start3A_55 = arith.constant 0 : i32
      %dma_start3A_56 = arith.constant 0 : i32
      %dma_start3A_57 = arith.constant 0 : i32
      %dma_start3A_58 = tpu.memref_slice %arg2[%run_scoped3A_12, %dma_start3A_53, %dma_start3A_54, %dma_start3A_55, %dma_start3A_56, %dma_start3A_57] : memref<2x2x16x10x8x125xi32, #tpu.memory_space<hbm>> -> memref<1x2x16x10x8x125xi32, #tpu.memory_space<hbm>>
      %dma_start3A_59 = tpu.memref_squeeze %dma_start3A_58 : memref<1x2x16x10x8x125xi32, #tpu.memory_space<hbm>> -> memref<2x16x10x8x125xi32, #tpu.memory_space<hbm>>
      %dma_start3A_60 = arith.constant 0 : i32
      %dma_start3A_61 = arith.constant 0 : i32
      %dma_start3A_62 = tpu.memref_slice %dma_start3A_59[%arg0, %arg1, %run_scoped3A_13, %dma_start3A_60, %dma_start3A_61] : memref<2x16x10x8x125xi32, #tpu.memory_space<hbm>> -> memref<1x1x1x8x125xi32, #tpu.memory_space<hbm>>
      %dma_start3A_63 = tpu.memref_squeeze %dma_start3A_62 : memref<1x1x1x8x125xi32, #tpu.memory_space<hbm>> -> memref<8x125xi32, #tpu.memory_space<hbm>>
      tpu.enqueue_dma source(%dma_start3A_63 : memref<8x125xi32, #tpu.memory_space<hbm>>) target(%arg6 : memref<8x125xi32, #tpu.memory_space<vmem>>) target_semaphore(%run_scoped3A_41 : memref<!tpu.dma_semaphore, #tpu.memory_space<semaphore_mem>>)
      %dma_wait3A_64 = arith.constant 0 : i32
      %dma_wait3A_65 = arith.constant 0 : i32
      %dma_wait3A_66 = arith.constant 0 : i32
      %dma_wait3A_67 = arith.constant 0 : i32
      %dma_wait3A_68 = arith.constant 0 : i32
      %dma_wait3A_69 = tpu.memref_slice %arg2[%run_scoped3A_12, %dma_wait3A_64, %dma_wait3A_65, %dma_wait3A_66, %dma_wait3A_67, %dma_wait3A_68] : memref<2x2x16x10x8x125xi32, #tpu.memory_space<hbm>> -> memref<1x2x16x10x8x125xi32, #tpu.memory_space<hbm>>
      %dma_wait3A_70 = tpu.memref_squeeze %dma_wait3A_69 : memref<1x2x16x10x8x125xi32, #tpu.memory_space<hbm>> -> memref<2x16x10x8x125xi32, #tpu.memory_space<hbm>>
      %dma_wait3A_71 = arith.constant 0 : i32
      %dma_wait3A_72 = arith.constant 0 : i32
      %dma_wait3A_73 = tpu.memref_slice %dma_wait3A_70[%arg0, %arg1, %run_scoped3A_13, %dma_wait3A_71, %dma_wait3A_72] : memref<2x16x10x8x125xi32, #tpu.memory_space<hbm>> -> memref<1x1x1x8x125xi32, #tpu.memory_space<hbm>>
      %dma_wait3A_74 = tpu.memref_squeeze %dma_wait3A_73 : memref<1x1x1x8x125xi32, #tpu.memory_space<hbm>> -> memref<8x125xi32, #tpu.memory_space<hbm>>
      %dma_wait3A_75 = arith.constant 0 : i32
      %dma_wait3A_76 = arith.constant 0 : i32
      %dma_wait3A_77 = arith.constant 0 : i32
      %dma_wait3A_78 = arith.constant 0 : i32
      %dma_wait3A_79 = arith.constant 0 : i32
      %dma_wait3A_80 = tpu.memref_slice %arg2[%run_scoped3A_12, %dma_wait3A_75, %dma_wait3A_76, %dma_wait3A_77, %dma_wait3A_78, %dma_wait3A_79] : memref<2x2x16x10x8x125xi32, #tpu.memory_space<hbm>> -> memref<1x2x16x10x8x125xi32, #tpu.memory_space<hbm>>
      %dma_wait3A_81 = tpu.memref_squeeze %dma_wait3A_80 : memref<1x2x16x10x8x125xi32, #tpu.memory_space<hbm>> -> memref<2x16x10x8x125xi32, #tpu.memory_space<hbm>>
      %dma_wait3A_82 = arith.constant 0 : i32
      %dma_wait3A_83 = arith.constant 0 : i32
      %dma_wait3A_84 = tpu.memref_slice %dma_wait3A_81[%arg0, %arg1, %run_scoped3A_13, %dma_wait3A_82, %dma_wait3A_83] : memref<2x16x10x8x125xi32, #tpu.memory_space<hbm>> -> memref<1x1x1x8x125xi32, #tpu.memory_space<hbm>>
      %dma_wait3A_85 = tpu.memref_squeeze %dma_wait3A_84 : memref<1x1x1x8x125xi32, #tpu.memory_space<hbm>> -> memref<8x125xi32, #tpu.memory_space<hbm>>
      tpu.wait_dma2 semaphore(%run_scoped3A_41 : memref<!tpu.dma_semaphore, #tpu.memory_space<semaphore_mem>>) src(%dma_wait3A_85 : memref<8x125xi32, #tpu.memory_space<hbm>>) dst(%arg6 : memref<8x125xi32, #tpu.memory_space<vmem>>)
      tpu.yield
    }) : () -> ()
    %dma_start3A = arith.constant 0 : i32
    %dma_start3A_14 = arith.constant 0 : i32
    %dma_start3A_15 = tpu.memref_slice %arg5[%dma_start3A, %dma_start3A_14] : memref<8x125xi32, #tpu.memory_space<vmem>> -> memref<1x125xi32, #tpu.memory_space<vmem>>
    %dma_start3A_16 = tpu.memref_squeeze %dma_start3A_15 : memref<1x125xi32, #tpu.memory_space<vmem>> -> memref<125xi32, #tpu.memory_space<vmem>>
    %dma_start3A_17 = arith.constant 0 : i32
    %dma_start3A_18 = arith.constant 0 : i32
    %dma_start3A_19 = tpu.memref_slice %arg3[%dma_start3A_17, %dma_start3A_18] : memref<10000x128xf32, #tpu.memory_space<hbm>> -> memref<10000x128xf32, #tpu.memory_space<hbm>>
    tpu.enqueue_indirect_dma source(%dma_start3A_19 : memref<10000x128xf32, #tpu.memory_space<hbm>>) target(%arg9 : memref<125x128xf32, #tpu.memory_space<vmem>>) offsets(%dma_start3A_16 : memref<125xi32, #tpu.memory_space<vmem>>) semaphore(%arg12 : memref<!tpu.dma_semaphore, #tpu.memory_space<semaphore_mem>>)
    %scan3A_20 = arith.constant 0 : i32
    %scan3A_21 = arith.constant 0 : i32
    %scan3A_22 = arith.constant 1 : i32
    %scan3A_23 = arith.constant 0 : i32
    %scan3A_24 = arith.constant 5 : i32
    %scan3A_25 = arith.addi %scan3A_23, %scan3A_24 : i32
    %scan3A_26 = arith.constant 1 : i32
    scf.for %scan3A_41 = %scan3A_23 to %scan3A_25 step %scan3A_26  : i32 {
      %mul3A = arith.constant 2 : i32
      %mul3A_42 = arith.muli %mul3A, %scan3A_41 : i32
      %add3A = arith.constant 1 : i32
      %add3A_43 = arith.addi %mul3A_42, %add3A : i32
      %dma_start3A_44 = arith.constant 0 : i32
      %dma_start3A_45 = arith.constant 0 : i32
      %dma_start3A_46 = arith.constant 0 : i32
      %dma_start3A_47 = arith.constant 0 : i32
      %dma_start3A_48 = arith.constant 0 : i32
      %dma_start3A_49 = tpu.memref_slice %arg2[%scan3A_21, %dma_start3A_44, %dma_start3A_45, %dma_start3A_46, %dma_start3A_47, %dma_start3A_48] : memref<2x2x16x10x8x125xi32, #tpu.memory_space<hbm>> -> memref<1x2x16x10x8x125xi32, #tpu.memory_space<hbm>>
      %dma_start3A_50 = tpu.memref_squeeze %dma_start3A_49 : memref<1x2x16x10x8x125xi32, #tpu.memory_space<hbm>> -> memref<2x16x10x8x125xi32, #tpu.memory_space<hbm>>
      %dma_start3A_51 = arith.constant 0 : i32
      %dma_start3A_52 = arith.constant 0 : i32
      %dma_start3A_53 = tpu.memref_slice %dma_start3A_50[%arg0, %arg1, %add3A_43, %dma_start3A_51, %dma_start3A_52] : memref<2x16x10x8x125xi32, #tpu.memory_space<hbm>> -> memref<1x1x1x8x125xi32, #tpu.memory_space<hbm>>
      %dma_start3A_54 = tpu.memref_squeeze %dma_start3A_53 : memref<1x1x1x8x125xi32, #tpu.memory_space<hbm>> -> memref<8x125xi32, #tpu.memory_space<hbm>>
      %dma_start3A_55 = arith.constant 0 : i32
      %dma_start3A_56 = arith.constant 0 : i32
      %dma_start3A_57 = arith.constant 0 : i32
      %dma_start3A_58 = arith.constant 0 : i32
      %dma_start3A_59 = arith.constant 0 : i32
      %dma_start3A_60 = tpu.memref_slice %arg2[%scan3A_21, %dma_start3A_55, %dma_start3A_56, %dma_start3A_57, %dma_start3A_58, %dma_start3A_59] : memref<2x2x16x10x8x125xi32, #tpu.memory_space<hbm>> -> memref<1x2x16x10x8x125xi32, #tpu.memory_space<hbm>>
      %dma_start3A_61 = tpu.memref_squeeze %dma_start3A_60 : memref<1x2x16x10x8x125xi32, #tpu.memory_space<hbm>> -> memref<2x16x10x8x125xi32, #tpu.memory_space<hbm>>
      %dma_start3A_62 = arith.constant 0 : i32
      %dma_start3A_63 = arith.constant 0 : i32
      %dma_start3A_64 = tpu.memref_slice %dma_start3A_61[%arg0, %arg1, %add3A_43, %dma_start3A_62, %dma_start3A_63] : memref<2x16x10x8x125xi32, #tpu.memory_space<hbm>> -> memref<1x1x1x8x125xi32, #tpu.memory_space<hbm>>
      %dma_start3A_65 = tpu.memref_squeeze %dma_start3A_64 : memref<1x1x1x8x125xi32, #tpu.memory_space<hbm>> -> memref<8x125xi32, #tpu.memory_space<hbm>>
      tpu.enqueue_dma source(%dma_start3A_65 : memref<8x125xi32, #tpu.memory_space<hbm>>) target(%arg7 : memref<8x125xi32, #tpu.memory_space<vmem>>) target_semaphore(%arg16 : memref<!tpu.dma_semaphore, #tpu.memory_space<semaphore_mem>>)
      %add3A_66 = arith.constant 1 : i32
      %add3A_67 = arith.addi %mul3A_42, %add3A_66 : i32
      %dma_start3A_68 = arith.constant 0 : i32
      %dma_start3A_69 = arith.constant 0 : i32
      %dma_start3A_70 = arith.constant 0 : i32
      %dma_start3A_71 = arith.constant 0 : i32
      %dma_start3A_72 = arith.constant 0 : i32
      %dma_start3A_73 = tpu.memref_slice %arg2[%scan3A_22, %dma_start3A_68, %dma_start3A_69, %dma_start3A_70, %dma_start3A_71, %dma_start3A_72] : memref<2x2x16x10x8x125xi32, #tpu.memory_space<hbm>> -> memref<1x2x16x10x8x125xi32, #tpu.memory_space<hbm>>
      %dma_start3A_74 = tpu.memref_squeeze %dma_start3A_73 : memref<1x2x16x10x8x125xi32, #tpu.memory_space<hbm>> -> memref<2x16x10x8x125xi32, #tpu.memory_space<hbm>>
      %dma_start3A_75 = arith.constant 0 : i32
      %dma_start3A_76 = arith.constant 0 : i32
      %dma_start3A_77 = tpu.memref_slice %dma_start3A_74[%arg0, %arg1, %add3A_67, %dma_start3A_75, %dma_start3A_76] : memref<2x16x10x8x125xi32, #tpu.memory_space<hbm>> -> memref<1x1x1x8x125xi32, #tpu.memory_space<hbm>>
      %dma_start3A_78 = tpu.memref_squeeze %dma_start3A_77 : memref<1x1x1x8x125xi32, #tpu.memory_space<hbm>> -> memref<8x125xi32, #tpu.memory_space<hbm>>
      %dma_start3A_79 = arith.constant 0 : i32
      %dma_start3A_80 = arith.constant 0 : i32
      %dma_start3A_81 = arith.constant 0 : i32
      %dma_start3A_82 = arith.constant 0 : i32
      %dma_start3A_83 = arith.constant 0 : i32
      %dma_start3A_84 = tpu.memref_slice %arg2[%scan3A_22, %dma_start3A_79, %dma_start3A_80, %dma_start3A_81, %dma_start3A_82, %dma_start3A_83] : memref<2x2x16x10x8x125xi32, #tpu.memory_space<hbm>> -> memref<1x2x16x10x8x125xi32, #tpu.memory_space<hbm>>
      %dma_start3A_85 = tpu.memref_squeeze %dma_start3A_84 : memref<1x2x16x10x8x125xi32, #tpu.memory_space<hbm>> -> memref<2x16x10x8x125xi32, #tpu.memory_space<hbm>>
      %dma_start3A_86 = arith.constant 0 : i32
      %dma_start3A_87 = arith.constant 0 : i32
      %dma_start3A_88 = tpu.memref_slice %dma_start3A_85[%arg0, %arg1, %add3A_67, %dma_start3A_86, %dma_start3A_87] : memref<2x16x10x8x125xi32, #tpu.memory_space<hbm>> -> memref<1x1x1x8x125xi32, #tpu.memory_space<hbm>>
      %dma_start3A_89 = tpu.memref_squeeze %dma_start3A_88 : memref<1x1x1x8x125xi32, #tpu.memory_space<hbm>> -> memref<8x125xi32, #tpu.memory_space<hbm>>
      tpu.enqueue_dma source(%dma_start3A_89 : memref<8x125xi32, #tpu.memory_space<hbm>>) target(%arg8 : memref<8x125xi32, #tpu.memory_space<vmem>>) target_semaphore(%arg16 : memref<!tpu.dma_semaphore, #tpu.memory_space<semaphore_mem>>)
      %eq3A = arith.constant 0 : i32
      %eq3A_90 = arith.cmpi eq, %scan3A_41, %eq3A : i32
      %dma_wait3A_91 = arith.constant 0 : i32
      %dma_wait3A_92 = arith.constant 0 : i32
      %dma_wait3A_93 = tpu.memref_slice %arg5[%dma_wait3A_91, %dma_wait3A_92] : memref<8x125xi32, #tpu.memory_space<vmem>> -> memref<1x125xi32, #tpu.memory_space<vmem>>
      %dma_wait3A_94 = tpu.memref_squeeze %dma_wait3A_93 : memref<1x125xi32, #tpu.memory_space<vmem>> -> memref<125xi32, #tpu.memory_space<vmem>>
      %dma_wait3A_95 = arith.constant 0 : i32
      %dma_wait3A_96 = arith.constant 0 : i32
      %dma_wait3A_97 = tpu.memref_slice %arg3[%dma_wait3A_95, %dma_wait3A_96] : memref<10000x128xf32, #tpu.memory_space<hbm>> -> memref<10000x128xf32, #tpu.memory_space<hbm>>
      tpu.wait_indirect_dma semaphore(%arg12 : memref<!tpu.dma_semaphore, #tpu.memory_space<semaphore_mem>>) src(%dma_wait3A_97 : memref<10000x128xf32, #tpu.memory_space<hbm>>) dst(%arg9 : memref<125x128xf32, #tpu.memory_space<vmem>>)
      %dma_start3A_98 = arith.constant 0 : i32
      %dma_start3A_99 = arith.constant 0 : i32
      %dma_start3A_100 = tpu.memref_slice %arg6[%dma_start3A_98, %dma_start3A_99] : memref<8x125xi32, #tpu.memory_space<vmem>> -> memref<1x125xi32, #tpu.memory_space<vmem>>
      %dma_start3A_101 = tpu.memref_squeeze %dma_start3A_100 : memref<1x125xi32, #tpu.memory_space<vmem>> -> memref<125xi32, #tpu.memory_space<vmem>>
      %dma_start3A_102 = arith.constant 0 : i32
      %dma_start3A_103 = arith.constant 0 : i32
      %dma_start3A_104 = tpu.memref_slice %arg11[%dma_start3A_102, %dma_start3A_103] : memref<10240x128xf32, #tpu.memory_space<vmem_shared>> -> memref<10240x128xf32, #tpu.memory_space<vmem_shared>>
      tpu.enqueue_indirect_dma source(%arg9 : memref<125x128xf32, #tpu.memory_space<vmem>>) target(%dma_start3A_104 : memref<10240x128xf32, #tpu.memory_space<vmem_shared>>) offsets(%dma_start3A_101 : memref<125xi32, #tpu.memory_space<vmem>>) semaphore(%arg14 : memref<!tpu.dma_semaphore, #tpu.memory_space<semaphore_mem>>) {add = true}
      %not3A = arith.constant true
      %not3A_105 = arith.xori %eq3A_90, %not3A : i1
      %convert_element_type3A = arith.extui %not3A_105 : i1 to i32
      %cond3A = arith.constant 0 : i32
      %cond3A_106 = arith.cmpi ne, %convert_element_type3A, %cond3A : i32
      scf.if %cond3A_106 {
        %dma_wait3A_582 = arith.constant 0 : i32
        %dma_wait3A_583 = arith.constant 0 : i32
        %dma_wait3A_584 = tpu.memref_slice %arg6[%dma_wait3A_582, %dma_wait3A_583] : memref<8x125xi32, #tpu.memory_space<vmem>> -> memref<1x125xi32, #tpu.memory_space<vmem>>
        %dma_wait3A_585 = tpu.memref_squeeze %dma_wait3A_584 : memref<1x125xi32, #tpu.memory_space<vmem>> -> memref<125xi32, #tpu.memory_space<vmem>>
        %dma_wait3A_586 = arith.constant 0 : i32
        %dma_wait3A_587 = arith.constant 0 : i32
        %dma_wait3A_588 = tpu.memref_slice %arg11[%dma_wait3A_586, %dma_wait3A_587] : memref<10240x128xf32, #tpu.memory_space<vmem_shared>> -> memref<10240x128xf32, #tpu.memory_space<vmem_shared>>
        tpu.wait_indirect_dma semaphore(%arg15 : memref<!tpu.dma_semaphore, #tpu.memory_space<semaphore_mem>>) src(%arg10 : memref<125x128xf32, #tpu.memory_space<vmem>>) dst(%dma_wait3A_588 : memref<10240x128xf32, #tpu.memory_space<vmem_shared>>)
      } else {
      }
      %dma_start3A_107 = arith.constant 1 : i32
      %dma_start3A_108 = arith.constant 0 : i32
      %dma_start3A_109 = tpu.memref_slice %arg5[%dma_start3A_107, %dma_start3A_108] : memref<8x125xi32, #tpu.memory_space<vmem>> -> memref<1x125xi32, #tpu.memory_space<vmem>>
      %dma_start3A_110 = tpu.memref_squeeze %dma_start3A_109 : memref<1x125xi32, #tpu.memory_space<vmem>> -> memref<125xi32, #tpu.memory_space<vmem>>
      %dma_start3A_111 = arith.constant 0 : i32
      %dma_start3A_112 = arith.constant 0 : i32
      %dma_start3A_113 = tpu.memref_slice %arg3[%dma_start3A_111, %dma_start3A_112] : memref<10000x128xf32, #tpu.memory_space<hbm>> -> memref<10000x128xf32, #tpu.memory_space<hbm>>
      tpu.enqueue_indirect_dma source(%dma_start3A_113 : memref<10000x128xf32, #tpu.memory_space<hbm>>) target(%arg10 : memref<125x128xf32, #tpu.memory_space<vmem>>) offsets(%dma_start3A_110 : memref<125xi32, #tpu.memory_space<vmem>>) semaphore(%arg13 : memref<!tpu.dma_semaphore, #tpu.memory_space<semaphore_mem>>)
      %dma_wait3A_114 = arith.constant 1 : i32
      %dma_wait3A_115 = arith.constant 0 : i32
      %dma_wait3A_116 = tpu.memref_slice %arg5[%dma_wait3A_114, %dma_wait3A_115] : memref<8x125xi32, #tpu.memory_space<vmem>> -> memref<1x125xi32, #tpu.memory_space<vmem>>
      %dma_wait3A_117 = tpu.memref_squeeze %dma_wait3A_116 : memref<1x125xi32, #tpu.memory_space<vmem>> -> memref<125xi32, #tpu.memory_space<vmem>>
      %dma_wait3A_118 = arith.constant 0 : i32
      %dma_wait3A_119 = arith.constant 0 : i32
      %dma_wait3A_120 = tpu.memref_slice %arg3[%dma_wait3A_118, %dma_wait3A_119] : memref<10000x128xf32, #tpu.memory_space<hbm>> -> memref<10000x128xf32, #tpu.memory_space<hbm>>
      tpu.wait_indirect_dma semaphore(%arg13 : memref<!tpu.dma_semaphore, #tpu.memory_space<semaphore_mem>>) src(%dma_wait3A_120 : memref<10000x128xf32, #tpu.memory_space<hbm>>) dst(%arg10 : memref<125x128xf32, #tpu.memory_space<vmem>>)
      %dma_start3A_121 = arith.constant 1 : i32
      %dma_start3A_122 = arith.constant 0 : i32
      %dma_start3A_123 = tpu.memref_slice %arg6[%dma_start3A_121, %dma_start3A_122] : memref<8x125xi32, #tpu.memory_space<vmem>> -> memref<1x125xi32, #tpu.memory_space<vmem>>
      %dma_start3A_124 = tpu.memref_squeeze %dma_start3A_123 : memref<1x125xi32, #tpu.memory_space<vmem>> -> memref<125xi32, #tpu.memory_space<vmem>>
      %dma_start3A_125 = arith.constant 0 : i32
      %dma_start3A_126 = arith.constant 0 : i32
      %dma_start3A_127 = tpu.memref_slice %arg11[%dma_start3A_125, %dma_start3A_126] : memref<10240x128xf32, #tpu.memory_space<vmem_shared>> -> memref<10240x128xf32, #tpu.memory_space<vmem_shared>>
      tpu.enqueue_indirect_dma source(%arg10 : memref<125x128xf32, #tpu.memory_space<vmem>>) target(%dma_start3A_127 : memref<10240x128xf32, #tpu.memory_space<vmem_shared>>) offsets(%dma_start3A_124 : memref<125xi32, #tpu.memory_space<vmem>>) semaphore(%arg15 : memref<!tpu.dma_semaphore, #tpu.memory_space<semaphore_mem>>) {add = true}
      %dma_wait3A_128 = arith.constant 1 : i32
      %dma_wait3A_129 = arith.constant 0 : i32
      %dma_wait3A_130 = tpu.memref_slice %arg6[%dma_wait3A_128, %dma_wait3A_129] : memref<8x125xi32, #tpu.memory_space<vmem>> -> memref<1x125xi32, #tpu.memory_space<vmem>>
      %dma_wait3A_131 = tpu.memref_squeeze %dma_wait3A_130 : memref<1x125xi32, #tpu.memory_space<vmem>> -> memref<125xi32, #tpu.memory_space<vmem>>
      %dma_wait3A_132 = arith.constant 0 : i32
      %dma_wait3A_133 = arith.constant 0 : i32
      %dma_wait3A_134 = tpu.memref_slice %arg11[%dma_wait3A_132, %dma_wait3A_133] : memref<10240x128xf32, #tpu.memory_space<vmem_shared>> -> memref<10240x128xf32, #tpu.memory_space<vmem_shared>>
      tpu.wait_indirect_dma semaphore(%arg14 : memref<!tpu.dma_semaphore, #tpu.memory_space<semaphore_mem>>) src(%arg9 : memref<125x128xf32, #tpu.memory_space<vmem>>) dst(%dma_wait3A_134 : memref<10240x128xf32, #tpu.memory_space<vmem_shared>>)
      %dma_start3A_135 = arith.constant 2 : i32
      %dma_start3A_136 = arith.constant 0 : i32
      %dma_start3A_137 = tpu.memref_slice %arg5[%dma_start3A_135, %dma_start3A_136] : memref<8x125xi32, #tpu.memory_space<vmem>> -> memref<1x125xi32, #tpu.memory_space<vmem>>
      %dma_start3A_138 = tpu.memref_squeeze %dma_start3A_137 : memref<1x125xi32, #tpu.memory_space<vmem>> -> memref<125xi32, #tpu.memory_space<vmem>>
      %dma_start3A_139 = arith.constant 0 : i32
      %dma_start3A_140 = arith.constant 0 : i32
      %dma_start3A_141 = tpu.memref_slice %arg3[%dma_start3A_139, %dma_start3A_140] : memref<10000x128xf32, #tpu.memory_space<hbm>> -> memref<10000x128xf32, #tpu.memory_space<hbm>>
      tpu.enqueue_indirect_dma source(%dma_start3A_141 : memref<10000x128xf32, #tpu.memory_space<hbm>>) target(%arg9 : memref<125x128xf32, #tpu.memory_space<vmem>>) offsets(%dma_start3A_138 : memref<125xi32, #tpu.memory_space<vmem>>) semaphore(%arg12 : memref<!tpu.dma_semaphore, #tpu.memory_space<semaphore_mem>>)
      %dma_wait3A_142 = arith.constant 2 : i32
      %dma_wait3A_143 = arith.constant 0 : i32
      %dma_wait3A_144 = tpu.memref_slice %arg5[%dma_wait3A_142, %dma_wait3A_143] : memref<8x125xi32, #tpu.memory_space<vmem>> -> memref<1x125xi32, #tpu.memory_space<vmem>>
      %dma_wait3A_145 = tpu.memref_squeeze %dma_wait3A_144 : memref<1x125xi32, #tpu.memory_space<vmem>> -> memref<125xi32, #tpu.memory_space<vmem>>
      %dma_wait3A_146 = arith.constant 0 : i32
      %dma_wait3A_147 = arith.constant 0 : i32
      %dma_wait3A_148 = tpu.memref_slice %arg3[%dma_wait3A_146, %dma_wait3A_147] : memref<10000x128xf32, #tpu.memory_space<hbm>> -> memref<10000x128xf32, #tpu.memory_space<hbm>>
      tpu.wait_indirect_dma semaphore(%arg12 : memref<!tpu.dma_semaphore, #tpu.memory_space<semaphore_mem>>) src(%dma_wait3A_148 : memref<10000x128xf32, #tpu.memory_space<hbm>>) dst(%arg9 : memref<125x128xf32, #tpu.memory_space<vmem>>)
      %dma_start3A_149 = arith.constant 2 : i32
      %dma_start3A_150 = arith.constant 0 : i32
      %dma_start3A_151 = tpu.memref_slice %arg6[%dma_start3A_149, %dma_start3A_150] : memref<8x125xi32, #tpu.memory_space<vmem>> -> memref<1x125xi32, #tpu.memory_space<vmem>>
      %dma_start3A_152 = tpu.memref_squeeze %dma_start3A_151 : memref<1x125xi32, #tpu.memory_space<vmem>> -> memref<125xi32, #tpu.memory_space<vmem>>
      %dma_start3A_153 = arith.constant 0 : i32
      %dma_start3A_154 = arith.constant 0 : i32
      %dma_start3A_155 = tpu.memref_slice %arg11[%dma_start3A_153, %dma_start3A_154] : memref<10240x128xf32, #tpu.memory_space<vmem_shared>> -> memref<10240x128xf32, #tpu.memory_space<vmem_shared>>
      tpu.enqueue_indirect_dma source(%arg9 : memref<125x128xf32, #tpu.memory_space<vmem>>) target(%dma_start3A_155 : memref<10240x128xf32, #tpu.memory_space<vmem_shared>>) offsets(%dma_start3A_152 : memref<125xi32, #tpu.memory_space<vmem>>) semaphore(%arg14 : memref<!tpu.dma_semaphore, #tpu.memory_space<semaphore_mem>>) {add = true}
      %dma_wait3A_156 = arith.constant 2 : i32
      %dma_wait3A_157 = arith.constant 0 : i32
      %dma_wait3A_158 = tpu.memref_slice %arg6[%dma_wait3A_156, %dma_wait3A_157] : memref<8x125xi32, #tpu.memory_space<vmem>> -> memref<1x125xi32, #tpu.memory_space<vmem>>
      %dma_wait3A_159 = tpu.memref_squeeze %dma_wait3A_158 : memref<1x125xi32, #tpu.memory_space<vmem>> -> memref<125xi32, #tpu.memory_space<vmem>>
      %dma_wait3A_160 = arith.constant 0 : i32
      %dma_wait3A_161 = arith.constant 0 : i32
      %dma_wait3A_162 = tpu.memref_slice %arg11[%dma_wait3A_160, %dma_wait3A_161] : memref<10240x128xf32, #tpu.memory_space<vmem_shared>> -> memref<10240x128xf32, #tpu.memory_space<vmem_shared>>
      tpu.wait_indirect_dma semaphore(%arg15 : memref<!tpu.dma_semaphore, #tpu.memory_space<semaphore_mem>>) src(%arg10 : memref<125x128xf32, #tpu.memory_space<vmem>>) dst(%dma_wait3A_162 : memref<10240x128xf32, #tpu.memory_space<vmem_shared>>)
      %dma_start3A_163 = arith.constant 3 : i32
      %dma_start3A_164 = arith.constant 0 : i32
      %dma_start3A_165 = tpu.memref_slice %arg5[%dma_start3A_163, %dma_start3A_164] : memref<8x125xi32, #tpu.memory_space<vmem>> -> memref<1x125xi32, #tpu.memory_space<vmem>>
      %dma_start3A_166 = tpu.memref_squeeze %dma_start3A_165 : memref<1x125xi32, #tpu.memory_space<vmem>> -> memref<125xi32, #tpu.memory_space<vmem>>
      %dma_start3A_167 = arith.constant 0 : i32
      %dma_start3A_168 = arith.constant 0 : i32
      %dma_start3A_169 = tpu.memref_slice %arg3[%dma_start3A_167, %dma_start3A_168] : memref<10000x128xf32, #tpu.memory_space<hbm>> -> memref<10000x128xf32, #tpu.memory_space<hbm>>
      tpu.enqueue_indirect_dma source(%dma_start3A_169 : memref<10000x128xf32, #tpu.memory_space<hbm>>) target(%arg10 : memref<125x128xf32, #tpu.memory_space<vmem>>) offsets(%dma_start3A_166 : memref<125xi32, #tpu.memory_space<vmem>>) semaphore(%arg13 : memref<!tpu.dma_semaphore, #tpu.memory_space<semaphore_mem>>)
      %dma_wait3A_170 = arith.constant 3 : i32
      %dma_wait3A_171 = arith.constant 0 : i32
      %dma_wait3A_172 = tpu.memref_slice %arg5[%dma_wait3A_170, %dma_wait3A_171] : memref<8x125xi32, #tpu.memory_space<vmem>> -> memref<1x125xi32, #tpu.memory_space<vmem>>
      %dma_wait3A_173 = tpu.memref_squeeze %dma_wait3A_172 : memref<1x125xi32, #tpu.memory_space<vmem>> -> memref<125xi32, #tpu.memory_space<vmem>>
      %dma_wait3A_174 = arith.constant 0 : i32
      %dma_wait3A_175 = arith.constant 0 : i32
      %dma_wait3A_176 = tpu.memref_slice %arg3[%dma_wait3A_174, %dma_wait3A_175] : memref<10000x128xf32, #tpu.memory_space<hbm>> -> memref<10000x128xf32, #tpu.memory_space<hbm>>
      tpu.wait_indirect_dma semaphore(%arg13 : memref<!tpu.dma_semaphore, #tpu.memory_space<semaphore_mem>>) src(%dma_wait3A_176 : memref<10000x128xf32, #tpu.memory_space<hbm>>) dst(%arg10 : memref<125x128xf32, #tpu.memory_space<vmem>>)
      %dma_start3A_177 = arith.constant 3 : i32
      %dma_start3A_178 = arith.constant 0 : i32
      %dma_start3A_179 = tpu.memref_slice %arg6[%dma_start3A_177, %dma_start3A_178] : memref<8x125xi32, #tpu.memory_space<vmem>> -> memref<1x125xi32, #tpu.memory_space<vmem>>
      %dma_start3A_180 = tpu.memref_squeeze %dma_start3A_179 : memref<1x125xi32, #tpu.memory_space<vmem>> -> memref<125xi32, #tpu.memory_space<vmem>>
      %dma_start3A_181 = arith.constant 0 : i32
      %dma_start3A_182 = arith.constant 0 : i32
      %dma_start3A_183 = tpu.memref_slice %arg11[%dma_start3A_181, %dma_start3A_182] : memref<10240x128xf32, #tpu.memory_space<vmem_shared>> -> memref<10240x128xf32, #tpu.memory_space<vmem_shared>>
      tpu.enqueue_indirect_dma source(%arg10 : memref<125x128xf32, #tpu.memory_space<vmem>>) target(%dma_start3A_183 : memref<10240x128xf32, #tpu.memory_space<vmem_shared>>) offsets(%dma_start3A_180 : memref<125xi32, #tpu.memory_space<vmem>>) semaphore(%arg15 : memref<!tpu.dma_semaphore, #tpu.memory_space<semaphore_mem>>) {add = true}
      %dma_wait3A_184 = arith.constant 3 : i32
      %dma_wait3A_185 = arith.constant 0 : i32
      %dma_wait3A_186 = tpu.memref_slice %arg6[%dma_wait3A_184, %dma_wait3A_185] : memref<8x125xi32, #tpu.memory_space<vmem>> -> memref<1x125xi32, #tpu.memory_space<vmem>>
      %dma_wait3A_187 = tpu.memref_squeeze %dma_wait3A_186 : memref<1x125xi32, #tpu.memory_space<vmem>> -> memref<125xi32, #tpu.memory_space<vmem>>
      %dma_wait3A_188 = arith.constant 0 : i32
      %dma_wait3A_189 = arith.constant 0 : i32
      %dma_wait3A_190 = tpu.memref_slice %arg11[%dma_wait3A_188, %dma_wait3A_189] : memref<10240x128xf32, #tpu.memory_space<vmem_shared>> -> memref<10240x128xf32, #tpu.memory_space<vmem_shared>>
      tpu.wait_indirect_dma semaphore(%arg14 : memref<!tpu.dma_semaphore, #tpu.memory_space<semaphore_mem>>) src(%arg9 : memref<125x128xf32, #tpu.memory_space<vmem>>) dst(%dma_wait3A_190 : memref<10240x128xf32, #tpu.memory_space<vmem_shared>>)
      %dma_start3A_191 = arith.constant 4 : i32
      %dma_start3A_192 = arith.constant 0 : i32
      %dma_start3A_193 = tpu.memref_slice %arg5[%dma_start3A_191, %dma_start3A_192] : memref<8x125xi32, #tpu.memory_space<vmem>> -> memref<1x125xi32, #tpu.memory_space<vmem>>
      %dma_start3A_194 = tpu.memref_squeeze %dma_start3A_193 : memref<1x125xi32, #tpu.memory_space<vmem>> -> memref<125xi32, #tpu.memory_space<vmem>>
      %dma_start3A_195 = arith.constant 0 : i32
      %dma_start3A_196 = arith.constant 0 : i32
      %dma_start3A_197 = tpu.memref_slice %arg3[%dma_start3A_195, %dma_start3A_196] : memref<10000x128xf32, #tpu.memory_space<hbm>> -> memref<10000x128xf32, #tpu.memory_space<hbm>>
      tpu.enqueue_indirect_dma source(%dma_start3A_197 : memref<10000x128xf32, #tpu.memory_space<hbm>>) target(%arg9 : memref<125x128xf32, #tpu.memory_space<vmem>>) offsets(%dma_start3A_194 : memref<125xi32, #tpu.memory_space<vmem>>) semaphore(%arg12 : memref<!tpu.dma_semaphore, #tpu.memory_space<semaphore_mem>>)
      %dma_wait3A_198 = arith.constant 4 : i32
      %dma_wait3A_199 = arith.constant 0 : i32
      %dma_wait3A_200 = tpu.memref_slice %arg5[%dma_wait3A_198, %dma_wait3A_199] : memref<8x125xi32, #tpu.memory_space<vmem>> -> memref<1x125xi32, #tpu.memory_space<vmem>>
      %dma_wait3A_201 = tpu.memref_squeeze %dma_wait3A_200 : memref<1x125xi32, #tpu.memory_space<vmem>> -> memref<125xi32, #tpu.memory_space<vmem>>
      %dma_wait3A_202 = arith.constant 0 : i32
      %dma_wait3A_203 = arith.constant 0 : i32
      %dma_wait3A_204 = tpu.memref_slice %arg3[%dma_wait3A_202, %dma_wait3A_203] : memref<10000x128xf32, #tpu.memory_space<hbm>> -> memref<10000x128xf32, #tpu.memory_space<hbm>>
      tpu.wait_indirect_dma semaphore(%arg12 : memref<!tpu.dma_semaphore, #tpu.memory_space<semaphore_mem>>) src(%dma_wait3A_204 : memref<10000x128xf32, #tpu.memory_space<hbm>>) dst(%arg9 : memref<125x128xf32, #tpu.memory_space<vmem>>)
      %dma_start3A_205 = arith.constant 4 : i32
      %dma_start3A_206 = arith.constant 0 : i32
      %dma_start3A_207 = tpu.memref_slice %arg6[%dma_start3A_205, %dma_start3A_206] : memref<8x125xi32, #tpu.memory_space<vmem>> -> memref<1x125xi32, #tpu.memory_space<vmem>>
      %dma_start3A_208 = tpu.memref_squeeze %dma_start3A_207 : memref<1x125xi32, #tpu.memory_space<vmem>> -> memref<125xi32, #tpu.memory_space<vmem>>
      %dma_start3A_209 = arith.constant 0 : i32
      %dma_start3A_210 = arith.constant 0 : i32
      %dma_start3A_211 = tpu.memref_slice %arg11[%dma_start3A_209, %dma_start3A_210] : memref<10240x128xf32, #tpu.memory_space<vmem_shared>> -> memref<10240x128xf32, #tpu.memory_space<vmem_shared>>
      tpu.enqueue_indirect_dma source(%arg9 : memref<125x128xf32, #tpu.memory_space<vmem>>) target(%dma_start3A_211 : memref<10240x128xf32, #tpu.memory_space<vmem_shared>>) offsets(%dma_start3A_208 : memref<125xi32, #tpu.memory_space<vmem>>) semaphore(%arg14 : memref<!tpu.dma_semaphore, #tpu.memory_space<semaphore_mem>>) {add = true}
      %dma_wait3A_212 = arith.constant 4 : i32
      %dma_wait3A_213 = arith.constant 0 : i32
      %dma_wait3A_214 = tpu.memref_slice %arg6[%dma_wait3A_212, %dma_wait3A_213] : memref<8x125xi32, #tpu.memory_space<vmem>> -> memref<1x125xi32, #tpu.memory_space<vmem>>
      %dma_wait3A_215 = tpu.memref_squeeze %dma_wait3A_214 : memref<1x125xi32, #tpu.memory_space<vmem>> -> memref<125xi32, #tpu.memory_space<vmem>>
      %dma_wait3A_216 = arith.constant 0 : i32
      %dma_wait3A_217 = arith.constant 0 : i32
      %dma_wait3A_218 = tpu.memref_slice %arg11[%dma_wait3A_216, %dma_wait3A_217] : memref<10240x128xf32, #tpu.memory_space<vmem_shared>> -> memref<10240x128xf32, #tpu.memory_space<vmem_shared>>
      tpu.wait_indirect_dma semaphore(%arg15 : memref<!tpu.dma_semaphore, #tpu.memory_space<semaphore_mem>>) src(%arg10 : memref<125x128xf32, #tpu.memory_space<vmem>>) dst(%dma_wait3A_218 : memref<10240x128xf32, #tpu.memory_space<vmem_shared>>)
      %dma_start3A_219 = arith.constant 5 : i32
      %dma_start3A_220 = arith.constant 0 : i32
      %dma_start3A_221 = tpu.memref_slice %arg5[%dma_start3A_219, %dma_start3A_220] : memref<8x125xi32, #tpu.memory_space<vmem>> -> memref<1x125xi32, #tpu.memory_space<vmem>>
      %dma_start3A_222 = tpu.memref_squeeze %dma_start3A_221 : memref<1x125xi32, #tpu.memory_space<vmem>> -> memref<125xi32, #tpu.memory_space<vmem>>
      %dma_start3A_223 = arith.constant 0 : i32
      %dma_start3A_224 = arith.constant 0 : i32
      %dma_start3A_225 = tpu.memref_slice %arg3[%dma_start3A_223, %dma_start3A_224] : memref<10000x128xf32, #tpu.memory_space<hbm>> -> memref<10000x128xf32, #tpu.memory_space<hbm>>
      tpu.enqueue_indirect_dma source(%dma_start3A_225 : memref<10000x128xf32, #tpu.memory_space<hbm>>) target(%arg10 : memref<125x128xf32, #tpu.memory_space<vmem>>) offsets(%dma_start3A_222 : memref<125xi32, #tpu.memory_space<vmem>>) semaphore(%arg13 : memref<!tpu.dma_semaphore, #tpu.memory_space<semaphore_mem>>)
      %dma_wait3A_226 = arith.constant 5 : i32
      %dma_wait3A_227 = arith.constant 0 : i32
      %dma_wait3A_228 = tpu.memref_slice %arg5[%dma_wait3A_226, %dma_wait3A_227] : memref<8x125xi32, #tpu.memory_space<vmem>> -> memref<1x125xi32, #tpu.memory_space<vmem>>
      %dma_wait3A_229 = tpu.memref_squeeze %dma_wait3A_228 : memref<1x125xi32, #tpu.memory_space<vmem>> -> memref<125xi32, #tpu.memory_space<vmem>>
      %dma_wait3A_230 = arith.constant 0 : i32
      %dma_wait3A_231 = arith.constant 0 : i32
      %dma_wait3A_232 = tpu.memref_slice %arg3[%dma_wait3A_230, %dma_wait3A_231] : memref<10000x128xf32, #tpu.memory_space<hbm>> -> memref<10000x128xf32, #tpu.memory_space<hbm>>
      tpu.wait_indirect_dma semaphore(%arg13 : memref<!tpu.dma_semaphore, #tpu.memory_space<semaphore_mem>>) src(%dma_wait3A_232 : memref<10000x128xf32, #tpu.memory_space<hbm>>) dst(%arg10 : memref<125x128xf32, #tpu.memory_space<vmem>>)
      %dma_start3A_233 = arith.constant 5 : i32
      %dma_start3A_234 = arith.constant 0 : i32
      %dma_start3A_235 = tpu.memref_slice %arg6[%dma_start3A_233, %dma_start3A_234] : memref<8x125xi32, #tpu.memory_space<vmem>> -> memref<1x125xi32, #tpu.memory_space<vmem>>
      %dma_start3A_236 = tpu.memref_squeeze %dma_start3A_235 : memref<1x125xi32, #tpu.memory_space<vmem>> -> memref<125xi32, #tpu.memory_space<vmem>>
      %dma_start3A_237 = arith.constant 0 : i32
      %dma_start3A_238 = arith.constant 0 : i32
      %dma_start3A_239 = tpu.memref_slice %arg11[%dma_start3A_237, %dma_start3A_238] : memref<10240x128xf32, #tpu.memory_space<vmem_shared>> -> memref<10240x128xf32, #tpu.memory_space<vmem_shared>>
      tpu.enqueue_indirect_dma source(%arg10 : memref<125x128xf32, #tpu.memory_space<vmem>>) target(%dma_start3A_239 : memref<10240x128xf32, #tpu.memory_space<vmem_shared>>) offsets(%dma_start3A_236 : memref<125xi32, #tpu.memory_space<vmem>>) semaphore(%arg15 : memref<!tpu.dma_semaphore, #tpu.memory_space<semaphore_mem>>) {add = true}
      %dma_wait3A_240 = arith.constant 5 : i32
      %dma_wait3A_241 = arith.constant 0 : i32
      %dma_wait3A_242 = tpu.memref_slice %arg6[%dma_wait3A_240, %dma_wait3A_241] : memref<8x125xi32, #tpu.memory_space<vmem>> -> memref<1x125xi32, #tpu.memory_space<vmem>>
      %dma_wait3A_243 = tpu.memref_squeeze %dma_wait3A_242 : memref<1x125xi32, #tpu.memory_space<vmem>> -> memref<125xi32, #tpu.memory_space<vmem>>
      %dma_wait3A_244 = arith.constant 0 : i32
      %dma_wait3A_245 = arith.constant 0 : i32
      %dma_wait3A_246 = tpu.memref_slice %arg11[%dma_wait3A_244, %dma_wait3A_245] : memref<10240x128xf32, #tpu.memory_space<vmem_shared>> -> memref<10240x128xf32, #tpu.memory_space<vmem_shared>>
      tpu.wait_indirect_dma semaphore(%arg14 : memref<!tpu.dma_semaphore, #tpu.memory_space<semaphore_mem>>) src(%arg9 : memref<125x128xf32, #tpu.memory_space<vmem>>) dst(%dma_wait3A_246 : memref<10240x128xf32, #tpu.memory_space<vmem_shared>>)
      %dma_start3A_247 = arith.constant 6 : i32
      %dma_start3A_248 = arith.constant 0 : i32
      %dma_start3A_249 = tpu.memref_slice %arg5[%dma_start3A_247, %dma_start3A_248] : memref<8x125xi32, #tpu.memory_space<vmem>> -> memref<1x125xi32, #tpu.memory_space<vmem>>
      %dma_start3A_250 = tpu.memref_squeeze %dma_start3A_249 : memref<1x125xi32, #tpu.memory_space<vmem>> -> memref<125xi32, #tpu.memory_space<vmem>>
      %dma_start3A_251 = arith.constant 0 : i32
      %dma_start3A_252 = arith.constant 0 : i32
      %dma_start3A_253 = tpu.memref_slice %arg3[%dma_start3A_251, %dma_start3A_252] : memref<10000x128xf32, #tpu.memory_space<hbm>> -> memref<10000x128xf32, #tpu.memory_space<hbm>>
      tpu.enqueue_indirect_dma source(%dma_start3A_253 : memref<10000x128xf32, #tpu.memory_space<hbm>>) target(%arg9 : memref<125x128xf32, #tpu.memory_space<vmem>>) offsets(%dma_start3A_250 : memref<125xi32, #tpu.memory_space<vmem>>) semaphore(%arg12 : memref<!tpu.dma_semaphore, #tpu.memory_space<semaphore_mem>>)
      %dma_wait3A_254 = arith.constant 6 : i32
      %dma_wait3A_255 = arith.constant 0 : i32
      %dma_wait3A_256 = tpu.memref_slice %arg5[%dma_wait3A_254, %dma_wait3A_255] : memref<8x125xi32, #tpu.memory_space<vmem>> -> memref<1x125xi32, #tpu.memory_space<vmem>>
      %dma_wait3A_257 = tpu.memref_squeeze %dma_wait3A_256 : memref<1x125xi32, #tpu.memory_space<vmem>> -> memref<125xi32, #tpu.memory_space<vmem>>
      %dma_wait3A_258 = arith.constant 0 : i32
      %dma_wait3A_259 = arith.constant 0 : i32
      %dma_wait3A_260 = tpu.memref_slice %arg3[%dma_wait3A_258, %dma_wait3A_259] : memref<10000x128xf32, #tpu.memory_space<hbm>> -> memref<10000x128xf32, #tpu.memory_space<hbm>>
      tpu.wait_indirect_dma semaphore(%arg12 : memref<!tpu.dma_semaphore, #tpu.memory_space<semaphore_mem>>) src(%dma_wait3A_260 : memref<10000x128xf32, #tpu.memory_space<hbm>>) dst(%arg9 : memref<125x128xf32, #tpu.memory_space<vmem>>)
      %dma_start3A_261 = arith.constant 6 : i32
      %dma_start3A_262 = arith.constant 0 : i32
      %dma_start3A_263 = tpu.memref_slice %arg6[%dma_start3A_261, %dma_start3A_262] : memref<8x125xi32, #tpu.memory_space<vmem>> -> memref<1x125xi32, #tpu.memory_space<vmem>>
      %dma_start3A_264 = tpu.memref_squeeze %dma_start3A_263 : memref<1x125xi32, #tpu.memory_space<vmem>> -> memref<125xi32, #tpu.memory_space<vmem>>
      %dma_start3A_265 = arith.constant 0 : i32
      %dma_start3A_266 = arith.constant 0 : i32
      %dma_start3A_267 = tpu.memref_slice %arg11[%dma_start3A_265, %dma_start3A_266] : memref<10240x128xf32, #tpu.memory_space<vmem_shared>> -> memref<10240x128xf32, #tpu.memory_space<vmem_shared>>
      tpu.enqueue_indirect_dma source(%arg9 : memref<125x128xf32, #tpu.memory_space<vmem>>) target(%dma_start3A_267 : memref<10240x128xf32, #tpu.memory_space<vmem_shared>>) offsets(%dma_start3A_264 : memref<125xi32, #tpu.memory_space<vmem>>) semaphore(%arg14 : memref<!tpu.dma_semaphore, #tpu.memory_space<semaphore_mem>>) {add = true}
      %dma_wait3A_268 = arith.constant 6 : i32
      %dma_wait3A_269 = arith.constant 0 : i32
      %dma_wait3A_270 = tpu.memref_slice %arg6[%dma_wait3A_268, %dma_wait3A_269] : memref<8x125xi32, #tpu.memory_space<vmem>> -> memref<1x125xi32, #tpu.memory_space<vmem>>
      %dma_wait3A_271 = tpu.memref_squeeze %dma_wait3A_270 : memref<1x125xi32, #tpu.memory_space<vmem>> -> memref<125xi32, #tpu.memory_space<vmem>>
      %dma_wait3A_272 = arith.constant 0 : i32
      %dma_wait3A_273 = arith.constant 0 : i32
      %dma_wait3A_274 = tpu.memref_slice %arg11[%dma_wait3A_272, %dma_wait3A_273] : memref<10240x128xf32, #tpu.memory_space<vmem_shared>> -> memref<10240x128xf32, #tpu.memory_space<vmem_shared>>
      tpu.wait_indirect_dma semaphore(%arg15 : memref<!tpu.dma_semaphore, #tpu.memory_space<semaphore_mem>>) src(%arg10 : memref<125x128xf32, #tpu.memory_space<vmem>>) dst(%dma_wait3A_274 : memref<10240x128xf32, #tpu.memory_space<vmem_shared>>)
      %dma_start3A_275 = arith.constant 7 : i32
      %dma_start3A_276 = arith.constant 0 : i32
      %dma_start3A_277 = tpu.memref_slice %arg5[%dma_start3A_275, %dma_start3A_276] : memref<8x125xi32, #tpu.memory_space<vmem>> -> memref<1x125xi32, #tpu.memory_space<vmem>>
      %dma_start3A_278 = tpu.memref_squeeze %dma_start3A_277 : memref<1x125xi32, #tpu.memory_space<vmem>> -> memref<125xi32, #tpu.memory_space<vmem>>
      %dma_start3A_279 = arith.constant 0 : i32
      %dma_start3A_280 = arith.constant 0 : i32
      %dma_start3A_281 = tpu.memref_slice %arg3[%dma_start3A_279, %dma_start3A_280] : memref<10000x128xf32, #tpu.memory_space<hbm>> -> memref<10000x128xf32, #tpu.memory_space<hbm>>
      tpu.enqueue_indirect_dma source(%dma_start3A_281 : memref<10000x128xf32, #tpu.memory_space<hbm>>) target(%arg10 : memref<125x128xf32, #tpu.memory_space<vmem>>) offsets(%dma_start3A_278 : memref<125xi32, #tpu.memory_space<vmem>>) semaphore(%arg13 : memref<!tpu.dma_semaphore, #tpu.memory_space<semaphore_mem>>)
      %dma_wait3A_282 = arith.constant 7 : i32
      %dma_wait3A_283 = arith.constant 0 : i32
      %dma_wait3A_284 = tpu.memref_slice %arg5[%dma_wait3A_282, %dma_wait3A_283] : memref<8x125xi32, #tpu.memory_space<vmem>> -> memref<1x125xi32, #tpu.memory_space<vmem>>
      %dma_wait3A_285 = tpu.memref_squeeze %dma_wait3A_284 : memref<1x125xi32, #tpu.memory_space<vmem>> -> memref<125xi32, #tpu.memory_space<vmem>>
      %dma_wait3A_286 = arith.constant 0 : i32
      %dma_wait3A_287 = arith.constant 0 : i32
      %dma_wait3A_288 = tpu.memref_slice %arg3[%dma_wait3A_286, %dma_wait3A_287] : memref<10000x128xf32, #tpu.memory_space<hbm>> -> memref<10000x128xf32, #tpu.memory_space<hbm>>
      tpu.wait_indirect_dma semaphore(%arg13 : memref<!tpu.dma_semaphore, #tpu.memory_space<semaphore_mem>>) src(%dma_wait3A_288 : memref<10000x128xf32, #tpu.memory_space<hbm>>) dst(%arg10 : memref<125x128xf32, #tpu.memory_space<vmem>>)
      %dma_start3A_289 = arith.constant 7 : i32
      %dma_start3A_290 = arith.constant 0 : i32
      %dma_start3A_291 = tpu.memref_slice %arg6[%dma_start3A_289, %dma_start3A_290] : memref<8x125xi32, #tpu.memory_space<vmem>> -> memref<1x125xi32, #tpu.memory_space<vmem>>
      %dma_start3A_292 = tpu.memref_squeeze %dma_start3A_291 : memref<1x125xi32, #tpu.memory_space<vmem>> -> memref<125xi32, #tpu.memory_space<vmem>>
      %dma_start3A_293 = arith.constant 0 : i32
      %dma_start3A_294 = arith.constant 0 : i32
      %dma_start3A_295 = tpu.memref_slice %arg11[%dma_start3A_293, %dma_start3A_294] : memref<10240x128xf32, #tpu.memory_space<vmem_shared>> -> memref<10240x128xf32, #tpu.memory_space<vmem_shared>>
      tpu.enqueue_indirect_dma source(%arg10 : memref<125x128xf32, #tpu.memory_space<vmem>>) target(%dma_start3A_295 : memref<10240x128xf32, #tpu.memory_space<vmem_shared>>) offsets(%dma_start3A_292 : memref<125xi32, #tpu.memory_space<vmem>>) semaphore(%arg15 : memref<!tpu.dma_semaphore, #tpu.memory_space<semaphore_mem>>) {add = true}
      %dma_wait3A_296 = arith.constant 7 : i32
      %dma_wait3A_297 = arith.constant 0 : i32
      %dma_wait3A_298 = tpu.memref_slice %arg6[%dma_wait3A_296, %dma_wait3A_297] : memref<8x125xi32, #tpu.memory_space<vmem>> -> memref<1x125xi32, #tpu.memory_space<vmem>>
      %dma_wait3A_299 = tpu.memref_squeeze %dma_wait3A_298 : memref<1x125xi32, #tpu.memory_space<vmem>> -> memref<125xi32, #tpu.memory_space<vmem>>
      %dma_wait3A_300 = arith.constant 0 : i32
      %dma_wait3A_301 = arith.constant 0 : i32
      %dma_wait3A_302 = tpu.memref_slice %arg11[%dma_wait3A_300, %dma_wait3A_301] : memref<10240x128xf32, #tpu.memory_space<vmem_shared>> -> memref<10240x128xf32, #tpu.memory_space<vmem_shared>>
      tpu.wait_indirect_dma semaphore(%arg14 : memref<!tpu.dma_semaphore, #tpu.memory_space<semaphore_mem>>) src(%arg9 : memref<125x128xf32, #tpu.memory_space<vmem>>) dst(%dma_wait3A_302 : memref<10240x128xf32, #tpu.memory_space<vmem_shared>>)
      %dma_wait3A_303 = arith.constant 0 : i32
      %dma_wait3A_304 = arith.constant 0 : i32
      %dma_wait3A_305 = arith.constant 0 : i32
      %dma_wait3A_306 = arith.constant 0 : i32
      %dma_wait3A_307 = arith.constant 0 : i32
      %dma_wait3A_308 = arith.constant 0 : i32
      %dma_wait3A_309 = tpu.memref_slice %arg2[%scan3A_21, %dma_wait3A_304, %dma_wait3A_305, %dma_wait3A_306, %dma_wait3A_307, %dma_wait3A_308] : memref<2x2x16x10x8x125xi32, #tpu.memory_space<hbm>> -> memref<1x2x16x10x8x125xi32, #tpu.memory_space<hbm>>
      %dma_wait3A_310 = tpu.memref_squeeze %dma_wait3A_309 : memref<1x2x16x10x8x125xi32, #tpu.memory_space<hbm>> -> memref<2x16x10x8x125xi32, #tpu.memory_space<hbm>>
      %dma_wait3A_311 = arith.constant 0 : i32
      %dma_wait3A_312 = arith.constant 0 : i32
      %dma_wait3A_313 = tpu.memref_slice %dma_wait3A_310[%arg0, %arg1, %dma_wait3A_303, %dma_wait3A_311, %dma_wait3A_312] : memref<2x16x10x8x125xi32, #tpu.memory_space<hbm>> -> memref<1x1x1x8x125xi32, #tpu.memory_space<hbm>>
      %dma_wait3A_314 = tpu.memref_squeeze %dma_wait3A_313 : memref<1x1x1x8x125xi32, #tpu.memory_space<hbm>> -> memref<8x125xi32, #tpu.memory_space<hbm>>
      %dma_wait3A_315 = arith.constant 0 : i32
      %dma_wait3A_316 = arith.constant 0 : i32
      %dma_wait3A_317 = arith.constant 0 : i32
      %dma_wait3A_318 = arith.constant 0 : i32
      %dma_wait3A_319 = arith.constant 0 : i32
      %dma_wait3A_320 = tpu.memref_slice %arg2[%scan3A_21, %dma_wait3A_315, %dma_wait3A_316, %dma_wait3A_317, %dma_wait3A_318, %dma_wait3A_319] : memref<2x2x16x10x8x125xi32, #tpu.memory_space<hbm>> -> memref<1x2x16x10x8x125xi32, #tpu.memory_space<hbm>>
      %dma_wait3A_321 = tpu.memref_squeeze %dma_wait3A_320 : memref<1x2x16x10x8x125xi32, #tpu.memory_space<hbm>> -> memref<2x16x10x8x125xi32, #tpu.memory_space<hbm>>
      %dma_wait3A_322 = arith.constant 0 : i32
      %dma_wait3A_323 = arith.constant 0 : i32
      %dma_wait3A_324 = tpu.memref_slice %dma_wait3A_321[%arg0, %arg1, %dma_wait3A_303, %dma_wait3A_322, %dma_wait3A_323] : memref<2x16x10x8x125xi32, #tpu.memory_space<hbm>> -> memref<1x1x1x8x125xi32, #tpu.memory_space<hbm>>
      %dma_wait3A_325 = tpu.memref_squeeze %dma_wait3A_324 : memref<1x1x1x8x125xi32, #tpu.memory_space<hbm>> -> memref<8x125xi32, #tpu.memory_space<hbm>>
      tpu.wait_dma2 semaphore(%arg16 : memref<!tpu.dma_semaphore, #tpu.memory_space<semaphore_mem>>) src(%dma_wait3A_325 : memref<8x125xi32, #tpu.memory_space<hbm>>) dst(%arg7 : memref<8x125xi32, #tpu.memory_space<vmem>>)
      %dma_wait3A_326 = arith.constant 0 : i32
      %dma_wait3A_327 = arith.constant 0 : i32
      %dma_wait3A_328 = arith.constant 0 : i32
      %dma_wait3A_329 = arith.constant 0 : i32
      %dma_wait3A_330 = arith.constant 0 : i32
      %dma_wait3A_331 = arith.constant 0 : i32
      %dma_wait3A_332 = tpu.memref_slice %arg2[%scan3A_22, %dma_wait3A_327, %dma_wait3A_328, %dma_wait3A_329, %dma_wait3A_330, %dma_wait3A_331] : memref<2x2x16x10x8x125xi32, #tpu.memory_space<hbm>> -> memref<1x2x16x10x8x125xi32, #tpu.memory_space<hbm>>
      %dma_wait3A_333 = tpu.memref_squeeze %dma_wait3A_332 : memref<1x2x16x10x8x125xi32, #tpu.memory_space<hbm>> -> memref<2x16x10x8x125xi32, #tpu.memory_space<hbm>>
      %dma_wait3A_334 = arith.constant 0 : i32
      %dma_wait3A_335 = arith.constant 0 : i32
      %dma_wait3A_336 = tpu.memref_slice %dma_wait3A_333[%arg0, %arg1, %dma_wait3A_326, %dma_wait3A_334, %dma_wait3A_335] : memref<2x16x10x8x125xi32, #tpu.memory_space<hbm>> -> memref<1x1x1x8x125xi32, #tpu.memory_space<hbm>>
      %dma_wait3A_337 = tpu.memref_squeeze %dma_wait3A_336 : memref<1x1x1x8x125xi32, #tpu.memory_space<hbm>> -> memref<8x125xi32, #tpu.memory_space<hbm>>
      %dma_wait3A_338 = arith.constant 0 : i32
      %dma_wait3A_339 = arith.constant 0 : i32
      %dma_wait3A_340 = arith.constant 0 : i32
      %dma_wait3A_341 = arith.constant 0 : i32
      %dma_wait3A_342 = arith.constant 0 : i32
      %dma_wait3A_343 = tpu.memref_slice %arg2[%scan3A_22, %dma_wait3A_338, %dma_wait3A_339, %dma_wait3A_340, %dma_wait3A_341, %dma_wait3A_342] : memref<2x2x16x10x8x125xi32, #tpu.memory_space<hbm>> -> memref<1x2x16x10x8x125xi32, #tpu.memory_space<hbm>>
      %dma_wait3A_344 = tpu.memref_squeeze %dma_wait3A_343 : memref<1x2x16x10x8x125xi32, #tpu.memory_space<hbm>> -> memref<2x16x10x8x125xi32, #tpu.memory_space<hbm>>
      %dma_wait3A_345 = arith.constant 0 : i32
      %dma_wait3A_346 = arith.constant 0 : i32
      %dma_wait3A_347 = tpu.memref_slice %dma_wait3A_344[%arg0, %arg1, %dma_wait3A_326, %dma_wait3A_345, %dma_wait3A_346] : memref<2x16x10x8x125xi32, #tpu.memory_space<hbm>> -> memref<1x1x1x8x125xi32, #tpu.memory_space<hbm>>
      %dma_wait3A_348 = tpu.memref_squeeze %dma_wait3A_347 : memref<1x1x1x8x125xi32, #tpu.memory_space<hbm>> -> memref<8x125xi32, #tpu.memory_space<hbm>>
      tpu.wait_dma2 semaphore(%arg16 : memref<!tpu.dma_semaphore, #tpu.memory_space<semaphore_mem>>) src(%dma_wait3A_348 : memref<8x125xi32, #tpu.memory_space<hbm>>) dst(%arg8 : memref<8x125xi32, #tpu.memory_space<vmem>>)
      %dma_start3A_349 = arith.constant 0 : i32
      %dma_start3A_350 = arith.constant 0 : i32
      %dma_start3A_351 = tpu.memref_slice %arg7[%dma_start3A_349, %dma_start3A_350] : memref<8x125xi32, #tpu.memory_space<vmem>> -> memref<1x125xi32, #tpu.memory_space<vmem>>
      %dma_start3A_352 = tpu.memref_squeeze %dma_start3A_351 : memref<1x125xi32, #tpu.memory_space<vmem>> -> memref<125xi32, #tpu.memory_space<vmem>>
      %dma_start3A_353 = arith.constant 0 : i32
      %dma_start3A_354 = arith.constant 0 : i32
      %dma_start3A_355 = tpu.memref_slice %arg3[%dma_start3A_353, %dma_start3A_354] : memref<10000x128xf32, #tpu.memory_space<hbm>> -> memref<10000x128xf32, #tpu.memory_space<hbm>>
      tpu.enqueue_indirect_dma source(%dma_start3A_355 : memref<10000x128xf32, #tpu.memory_space<hbm>>) target(%arg9 : memref<125x128xf32, #tpu.memory_space<vmem>>) offsets(%dma_start3A_352 : memref<125xi32, #tpu.memory_space<vmem>>) semaphore(%arg12 : memref<!tpu.dma_semaphore, #tpu.memory_space<semaphore_mem>>)
      %lt3A = arith.constant 4 : i32
      %lt3A_356 = arith.cmpi slt, %scan3A_41, %lt3A : i32
      %convert_element_type3A_357 = arith.extui %lt3A_356 : i1 to i32
      %cond3A_358 = arith.constant 0 : i32
      %cond3A_359 = arith.cmpi ne, %convert_element_type3A_357, %cond3A_358 : i32
      scf.if %cond3A_359 {
        %add3A_582 = arith.constant 2 : i32
        %add3A_583 = arith.addi %mul3A_42, %add3A_582 : i32
        %dma_start3A_584 = arith.constant 0 : i32
        %dma_start3A_585 = arith.constant 0 : i32
        %dma_start3A_586 = arith.constant 0 : i32
        %dma_start3A_587 = arith.constant 0 : i32
        %dma_start3A_588 = arith.constant 0 : i32
        %dma_start3A_589 = tpu.memref_slice %arg2[%scan3A_21, %dma_start3A_584, %dma_start3A_585, %dma_start3A_586, %dma_start3A_587, %dma_start3A_588] : memref<2x2x16x10x8x125xi32, #tpu.memory_space<hbm>> -> memref<1x2x16x10x8x125xi32, #tpu.memory_space<hbm>>
        %dma_start3A_590 = tpu.memref_squeeze %dma_start3A_589 : memref<1x2x16x10x8x125xi32, #tpu.memory_space<hbm>> -> memref<2x16x10x8x125xi32, #tpu.memory_space<hbm>>
        %dma_start3A_591 = arith.constant 0 : i32
        %dma_start3A_592 = arith.constant 0 : i32
        %dma_start3A_593 = tpu.memref_slice %dma_start3A_590[%arg0, %arg1, %add3A_583, %dma_start3A_591, %dma_start3A_592] : memref<2x16x10x8x125xi32, #tpu.memory_space<hbm>> -> memref<1x1x1x8x125xi32, #tpu.memory_space<hbm>>
        %dma_start3A_594 = tpu.memref_squeeze %dma_start3A_593 : memref<1x1x1x8x125xi32, #tpu.memory_space<hbm>> -> memref<8x125xi32, #tpu.memory_space<hbm>>
        %dma_start3A_595 = arith.constant 0 : i32
        %dma_start3A_596 = arith.constant 0 : i32
        %dma_start3A_597 = arith.constant 0 : i32
        %dma_start3A_598 = arith.constant 0 : i32
        %dma_start3A_599 = arith.constant 0 : i32
        %dma_start3A_600 = tpu.memref_slice %arg2[%scan3A_21, %dma_start3A_595, %dma_start3A_596, %dma_start3A_597, %dma_start3A_598, %dma_start3A_599] : memref<2x2x16x10x8x125xi32, #tpu.memory_space<hbm>> -> memref<1x2x16x10x8x125xi32, #tpu.memory_space<hbm>>
        %dma_start3A_601 = tpu.memref_squeeze %dma_start3A_600 : memref<1x2x16x10x8x125xi32, #tpu.memory_space<hbm>> -> memref<2x16x10x8x125xi32, #tpu.memory_space<hbm>>
        %dma_start3A_602 = arith.constant 0 : i32
        %dma_start3A_603 = arith.constant 0 : i32
        %dma_start3A_604 = tpu.memref_slice %dma_start3A_601[%arg0, %arg1, %add3A_583, %dma_start3A_602, %dma_start3A_603] : memref<2x16x10x8x125xi32, #tpu.memory_space<hbm>> -> memref<1x1x1x8x125xi32, #tpu.memory_space<hbm>>
        %dma_start3A_605 = tpu.memref_squeeze %dma_start3A_604 : memref<1x1x1x8x125xi32, #tpu.memory_space<hbm>> -> memref<8x125xi32, #tpu.memory_space<hbm>>
        tpu.enqueue_dma source(%dma_start3A_605 : memref<8x125xi32, #tpu.memory_space<hbm>>) target(%arg5 : memref<8x125xi32, #tpu.memory_space<vmem>>) target_semaphore(%arg16 : memref<!tpu.dma_semaphore, #tpu.memory_space<semaphore_mem>>)
        %add3A_606 = arith.constant 2 : i32
        %add3A_607 = arith.addi %mul3A_42, %add3A_606 : i32
        %dma_start3A_608 = arith.constant 0 : i32
        %dma_start3A_609 = arith.constant 0 : i32
        %dma_start3A_610 = arith.constant 0 : i32
        %dma_start3A_611 = arith.constant 0 : i32
        %dma_start3A_612 = arith.constant 0 : i32
        %dma_start3A_613 = tpu.memref_slice %arg2[%scan3A_22, %dma_start3A_608, %dma_start3A_609, %dma_start3A_610, %dma_start3A_611, %dma_start3A_612] : memref<2x2x16x10x8x125xi32, #tpu.memory_space<hbm>> -> memref<1x2x16x10x8x125xi32, #tpu.memory_space<hbm>>
        %dma_start3A_614 = tpu.memref_squeeze %dma_start3A_613 : memref<1x2x16x10x8x125xi32, #tpu.memory_space<hbm>> -> memref<2x16x10x8x125xi32, #tpu.memory_space<hbm>>
        %dma_start3A_615 = arith.constant 0 : i32
        %dma_start3A_616 = arith.constant 0 : i32
        %dma_start3A_617 = tpu.memref_slice %dma_start3A_614[%arg0, %arg1, %add3A_607, %dma_start3A_615, %dma_start3A_616] : memref<2x16x10x8x125xi32, #tpu.memory_space<hbm>> -> memref<1x1x1x8x125xi32, #tpu.memory_space<hbm>>
        %dma_start3A_618 = tpu.memref_squeeze %dma_start3A_617 : memref<1x1x1x8x125xi32, #tpu.memory_space<hbm>> -> memref<8x125xi32, #tpu.memory_space<hbm>>
        %dma_start3A_619 = arith.constant 0 : i32
        %dma_start3A_620 = arith.constant 0 : i32
        %dma_start3A_621 = arith.constant 0 : i32
        %dma_start3A_622 = arith.constant 0 : i32
        %dma_start3A_623 = arith.constant 0 : i32
        %dma_start3A_624 = tpu.memref_slice %arg2[%scan3A_22, %dma_start3A_619, %dma_start3A_620, %dma_start3A_621, %dma_start3A_622, %dma_start3A_623] : memref<2x2x16x10x8x125xi32, #tpu.memory_space<hbm>> -> memref<1x2x16x10x8x125xi32, #tpu.memory_space<hbm>>
        %dma_start3A_625 = tpu.memref_squeeze %dma_start3A_624 : memref<1x2x16x10x8x125xi32, #tpu.memory_space<hbm>> -> memref<2x16x10x8x125xi32, #tpu.memory_space<hbm>>
        %dma_start3A_626 = arith.constant 0 : i32
        %dma_start3A_627 = arith.constant 0 : i32
        %dma_start3A_628 = tpu.memref_slice %dma_start3A_625[%arg0, %arg1, %add3A_607, %dma_start3A_626, %dma_start3A_627] : memref<2x16x10x8x125xi32, #tpu.memory_space<hbm>> -> memref<1x1x1x8x125xi32, #tpu.memory_space<hbm>>
        %dma_start3A_629 = tpu.memref_squeeze %dma_start3A_628 : memref<1x1x1x8x125xi32, #tpu.memory_space<hbm>> -> memref<8x125xi32, #tpu.memory_space<hbm>>
        tpu.enqueue_dma source(%dma_start3A_629 : memref<8x125xi32, #tpu.memory_space<hbm>>) target(%arg6 : memref<8x125xi32, #tpu.memory_space<vmem>>) target_semaphore(%arg16 : memref<!tpu.dma_semaphore, #tpu.memory_space<semaphore_mem>>)
      } else {
      }
      %dma_wait3A_360 = arith.constant 0 : i32
      %dma_wait3A_361 = arith.constant 0 : i32
      %dma_wait3A_362 = tpu.memref_slice %arg7[%dma_wait3A_360, %dma_wait3A_361] : memref<8x125xi32, #tpu.memory_space<vmem>> -> memref<1x125xi32, #tpu.memory_space<vmem>>
      %dma_wait3A_363 = tpu.memref_squeeze %dma_wait3A_362 : memref<1x125xi32, #tpu.memory_space<vmem>> -> memref<125xi32, #tpu.memory_space<vmem>>
      %dma_wait3A_364 = arith.constant 0 : i32
      %dma_wait3A_365 = arith.constant 0 : i32
      %dma_wait3A_366 = tpu.memref_slice %arg3[%dma_wait3A_364, %dma_wait3A_365] : memref<10000x128xf32, #tpu.memory_space<hbm>> -> memref<10000x128xf32, #tpu.memory_space<hbm>>
      tpu.wait_indirect_dma semaphore(%arg12 : memref<!tpu.dma_semaphore, #tpu.memory_space<semaphore_mem>>) src(%dma_wait3A_366 : memref<10000x128xf32, #tpu.memory_space<hbm>>) dst(%arg9 : memref<125x128xf32, #tpu.memory_space<vmem>>)
      %dma_start3A_367 = arith.constant 0 : i32
      %dma_start3A_368 = arith.constant 0 : i32
      %dma_start3A_369 = tpu.memref_slice %arg8[%dma_start3A_367, %dma_start3A_368] : memref<8x125xi32, #tpu.memory_space<vmem>> -> memref<1x125xi32, #tpu.memory_space<vmem>>
      %dma_start3A_370 = tpu.memref_squeeze %dma_start3A_369 : memref<1x125xi32, #tpu.memory_space<vmem>> -> memref<125xi32, #tpu.memory_space<vmem>>
      %dma_start3A_371 = arith.constant 0 : i32
      %dma_start3A_372 = arith.constant 0 : i32
      %dma_start3A_373 = tpu.memref_slice %arg11[%dma_start3A_371, %dma_start3A_372] : memref<10240x128xf32, #tpu.memory_space<vmem_shared>> -> memref<10240x128xf32, #tpu.memory_space<vmem_shared>>
      tpu.enqueue_indirect_dma source(%arg9 : memref<125x128xf32, #tpu.memory_space<vmem>>) target(%dma_start3A_373 : memref<10240x128xf32, #tpu.memory_space<vmem_shared>>) offsets(%dma_start3A_370 : memref<125xi32, #tpu.memory_space<vmem>>) semaphore(%arg14 : memref<!tpu.dma_semaphore, #tpu.memory_space<semaphore_mem>>) {add = true}
      %dma_wait3A_374 = arith.constant 0 : i32
      %dma_wait3A_375 = arith.constant 0 : i32
      %dma_wait3A_376 = tpu.memref_slice %arg8[%dma_wait3A_374, %dma_wait3A_375] : memref<8x125xi32, #tpu.memory_space<vmem>> -> memref<1x125xi32, #tpu.memory_space<vmem>>
      %dma_wait3A_377 = tpu.memref_squeeze %dma_wait3A_376 : memref<1x125xi32, #tpu.memory_space<vmem>> -> memref<125xi32, #tpu.memory_space<vmem>>
      %dma_wait3A_378 = arith.constant 0 : i32
      %dma_wait3A_379 = arith.constant 0 : i32
      %dma_wait3A_380 = tpu.memref_slice %arg11[%dma_wait3A_378, %dma_wait3A_379] : memref<10240x128xf32, #tpu.memory_space<vmem_shared>> -> memref<10240x128xf32, #tpu.memory_space<vmem_shared>>
      tpu.wait_indirect_dma semaphore(%arg15 : memref<!tpu.dma_semaphore, #tpu.memory_space<semaphore_mem>>) src(%arg10 : memref<125x128xf32, #tpu.memory_space<vmem>>) dst(%dma_wait3A_380 : memref<10240x128xf32, #tpu.memory_space<vmem_shared>>)
      %dma_start3A_381 = arith.constant 1 : i32
      %dma_start3A_382 = arith.constant 0 : i32
      %dma_start3A_383 = tpu.memref_slice %arg7[%dma_start3A_381, %dma_start3A_382] : memref<8x125xi32, #tpu.memory_space<vmem>> -> memref<1x125xi32, #tpu.memory_space<vmem>>
      %dma_start3A_384 = tpu.memref_squeeze %dma_start3A_383 : memref<1x125xi32, #tpu.memory_space<vmem>> -> memref<125xi32, #tpu.memory_space<vmem>>
      %dma_start3A_385 = arith.constant 0 : i32
      %dma_start3A_386 = arith.constant 0 : i32
      %dma_start3A_387 = tpu.memref_slice %arg3[%dma_start3A_385, %dma_start3A_386] : memref<10000x128xf32, #tpu.memory_space<hbm>> -> memref<10000x128xf32, #tpu.memory_space<hbm>>
      tpu.enqueue_indirect_dma source(%dma_start3A_387 : memref<10000x128xf32, #tpu.memory_space<hbm>>) target(%arg10 : memref<125x128xf32, #tpu.memory_space<vmem>>) offsets(%dma_start3A_384 : memref<125xi32, #tpu.memory_space<vmem>>) semaphore(%arg13 : memref<!tpu.dma_semaphore, #tpu.memory_space<semaphore_mem>>)
      %dma_wait3A_388 = arith.constant 1 : i32
      %dma_wait3A_389 = arith.constant 0 : i32
      %dma_wait3A_390 = tpu.memref_slice %arg7[%dma_wait3A_388, %dma_wait3A_389] : memref<8x125xi32, #tpu.memory_space<vmem>> -> memref<1x125xi32, #tpu.memory_space<vmem>>
      %dma_wait3A_391 = tpu.memref_squeeze %dma_wait3A_390 : memref<1x125xi32, #tpu.memory_space<vmem>> -> memref<125xi32, #tpu.memory_space<vmem>>
      %dma_wait3A_392 = arith.constant 0 : i32
      %dma_wait3A_393 = arith.constant 0 : i32
      %dma_wait3A_394 = tpu.memref_slice %arg3[%dma_wait3A_392, %dma_wait3A_393] : memref<10000x128xf32, #tpu.memory_space<hbm>> -> memref<10000x128xf32, #tpu.memory_space<hbm>>
      tpu.wait_indirect_dma semaphore(%arg13 : memref<!tpu.dma_semaphore, #tpu.memory_space<semaphore_mem>>) src(%dma_wait3A_394 : memref<10000x128xf32, #tpu.memory_space<hbm>>) dst(%arg10 : memref<125x128xf32, #tpu.memory_space<vmem>>)
      %dma_start3A_395 = arith.constant 1 : i32
      %dma_start3A_396 = arith.constant 0 : i32
      %dma_start3A_397 = tpu.memref_slice %arg8[%dma_start3A_395, %dma_start3A_396] : memref<8x125xi32, #tpu.memory_space<vmem>> -> memref<1x125xi32, #tpu.memory_space<vmem>>
      %dma_start3A_398 = tpu.memref_squeeze %dma_start3A_397 : memref<1x125xi32, #tpu.memory_space<vmem>> -> memref<125xi32, #tpu.memory_space<vmem>>
      %dma_start3A_399 = arith.constant 0 : i32
      %dma_start3A_400 = arith.constant 0 : i32
      %dma_start3A_401 = tpu.memref_slice %arg11[%dma_start3A_399, %dma_start3A_400] : memref<10240x128xf32, #tpu.memory_space<vmem_shared>> -> memref<10240x128xf32, #tpu.memory_space<vmem_shared>>
      tpu.enqueue_indirect_dma source(%arg10 : memref<125x128xf32, #tpu.memory_space<vmem>>) target(%dma_start3A_401 : memref<10240x128xf32, #tpu.memory_space<vmem_shared>>) offsets(%dma_start3A_398 : memref<125xi32, #tpu.memory_space<vmem>>) semaphore(%arg15 : memref<!tpu.dma_semaphore, #tpu.memory_space<semaphore_mem>>) {add = true}
      %dma_wait3A_402 = arith.constant 1 : i32
      %dma_wait3A_403 = arith.constant 0 : i32
      %dma_wait3A_404 = tpu.memref_slice %arg8[%dma_wait3A_402, %dma_wait3A_403] : memref<8x125xi32, #tpu.memory_space<vmem>> -> memref<1x125xi32, #tpu.memory_space<vmem>>
      %dma_wait3A_405 = tpu.memref_squeeze %dma_wait3A_404 : memref<1x125xi32, #tpu.memory_space<vmem>> -> memref<125xi32, #tpu.memory_space<vmem>>
      %dma_wait3A_406 = arith.constant 0 : i32
      %dma_wait3A_407 = arith.constant 0 : i32
      %dma_wait3A_408 = tpu.memref_slice %arg11[%dma_wait3A_406, %dma_wait3A_407] : memref<10240x128xf32, #tpu.memory_space<vmem_shared>> -> memref<10240x128xf32, #tpu.memory_space<vmem_shared>>
      tpu.wait_indirect_dma semaphore(%arg14 : memref<!tpu.dma_semaphore, #tpu.memory_space<semaphore_mem>>) src(%arg9 : memref<125x128xf32, #tpu.memory_space<vmem>>) dst(%dma_wait3A_408 : memref<10240x128xf32, #tpu.memory_space<vmem_shared>>)
      %dma_start3A_409 = arith.constant 2 : i32
      %dma_start3A_410 = arith.constant 0 : i32
      %dma_start3A_411 = tpu.memref_slice %arg7[%dma_start3A_409, %dma_start3A_410] : memref<8x125xi32, #tpu.memory_space<vmem>> -> memref<1x125xi32, #tpu.memory_space<vmem>>
      %dma_start3A_412 = tpu.memref_squeeze %dma_start3A_411 : memref<1x125xi32, #tpu.memory_space<vmem>> -> memref<125xi32, #tpu.memory_space<vmem>>
      %dma_start3A_413 = arith.constant 0 : i32
      %dma_start3A_414 = arith.constant 0 : i32
      %dma_start3A_415 = tpu.memref_slice %arg3[%dma_start3A_413, %dma_start3A_414] : memref<10000x128xf32, #tpu.memory_space<hbm>> -> memref<10000x128xf32, #tpu.memory_space<hbm>>
      tpu.enqueue_indirect_dma source(%dma_start3A_415 : memref<10000x128xf32, #tpu.memory_space<hbm>>) target(%arg9 : memref<125x128xf32, #tpu.memory_space<vmem>>) offsets(%dma_start3A_412 : memref<125xi32, #tpu.memory_space<vmem>>) semaphore(%arg12 : memref<!tpu.dma_semaphore, #tpu.memory_space<semaphore_mem>>)
      %dma_wait3A_416 = arith.constant 2 : i32
      %dma_wait3A_417 = arith.constant 0 : i32
      %dma_wait3A_418 = tpu.memref_slice %arg7[%dma_wait3A_416, %dma_wait3A_417] : memref<8x125xi32, #tpu.memory_space<vmem>> -> memref<1x125xi32, #tpu.memory_space<vmem>>
      %dma_wait3A_419 = tpu.memref_squeeze %dma_wait3A_418 : memref<1x125xi32, #tpu.memory_space<vmem>> -> memref<125xi32, #tpu.memory_space<vmem>>
      %dma_wait3A_420 = arith.constant 0 : i32
      %dma_wait3A_421 = arith.constant 0 : i32
      %dma_wait3A_422 = tpu.memref_slice %arg3[%dma_wait3A_420, %dma_wait3A_421] : memref<10000x128xf32, #tpu.memory_space<hbm>> -> memref<10000x128xf32, #tpu.memory_space<hbm>>
      tpu.wait_indirect_dma semaphore(%arg12 : memref<!tpu.dma_semaphore, #tpu.memory_space<semaphore_mem>>) src(%dma_wait3A_422 : memref<10000x128xf32, #tpu.memory_space<hbm>>) dst(%arg9 : memref<125x128xf32, #tpu.memory_space<vmem>>)
      %dma_start3A_423 = arith.constant 2 : i32
      %dma_start3A_424 = arith.constant 0 : i32
      %dma_start3A_425 = tpu.memref_slice %arg8[%dma_start3A_423, %dma_start3A_424] : memref<8x125xi32, #tpu.memory_space<vmem>> -> memref<1x125xi32, #tpu.memory_space<vmem>>
      %dma_start3A_426 = tpu.memref_squeeze %dma_start3A_425 : memref<1x125xi32, #tpu.memory_space<vmem>> -> memref<125xi32, #tpu.memory_space<vmem>>
      %dma_start3A_427 = arith.constant 0 : i32
      %dma_start3A_428 = arith.constant 0 : i32
      %dma_start3A_429 = tpu.memref_slice %arg11[%dma_start3A_427, %dma_start3A_428] : memref<10240x128xf32, #tpu.memory_space<vmem_shared>> -> memref<10240x128xf32, #tpu.memory_space<vmem_shared>>
      tpu.enqueue_indirect_dma source(%arg9 : memref<125x128xf32, #tpu.memory_space<vmem>>) target(%dma_start3A_429 : memref<10240x128xf32, #tpu.memory_space<vmem_shared>>) offsets(%dma_start3A_426 : memref<125xi32, #tpu.memory_space<vmem>>) semaphore(%arg14 : memref<!tpu.dma_semaphore, #tpu.memory_space<semaphore_mem>>) {add = true}
      %dma_wait3A_430 = arith.constant 2 : i32
      %dma_wait3A_431 = arith.constant 0 : i32
      %dma_wait3A_432 = tpu.memref_slice %arg8[%dma_wait3A_430, %dma_wait3A_431] : memref<8x125xi32, #tpu.memory_space<vmem>> -> memref<1x125xi32, #tpu.memory_space<vmem>>
      %dma_wait3A_433 = tpu.memref_squeeze %dma_wait3A_432 : memref<1x125xi32, #tpu.memory_space<vmem>> -> memref<125xi32, #tpu.memory_space<vmem>>
      %dma_wait3A_434 = arith.constant 0 : i32
      %dma_wait3A_435 = arith.constant 0 : i32
      %dma_wait3A_436 = tpu.memref_slice %arg11[%dma_wait3A_434, %dma_wait3A_435] : memref<10240x128xf32, #tpu.memory_space<vmem_shared>> -> memref<10240x128xf32, #tpu.memory_space<vmem_shared>>
      tpu.wait_indirect_dma semaphore(%arg15 : memref<!tpu.dma_semaphore, #tpu.memory_space<semaphore_mem>>) src(%arg10 : memref<125x128xf32, #tpu.memory_space<vmem>>) dst(%dma_wait3A_436 : memref<10240x128xf32, #tpu.memory_space<vmem_shared>>)
      %dma_start3A_437 = arith.constant 3 : i32
      %dma_start3A_438 = arith.constant 0 : i32
      %dma_start3A_439 = tpu.memref_slice %arg7[%dma_start3A_437, %dma_start3A_438] : memref<8x125xi32, #tpu.memory_space<vmem>> -> memref<1x125xi32, #tpu.memory_space<vmem>>
      %dma_start3A_440 = tpu.memref_squeeze %dma_start3A_439 : memref<1x125xi32, #tpu.memory_space<vmem>> -> memref<125xi32, #tpu.memory_space<vmem>>
      %dma_start3A_441 = arith.constant 0 : i32
      %dma_start3A_442 = arith.constant 0 : i32
      %dma_start3A_443 = tpu.memref_slice %arg3[%dma_start3A_441, %dma_start3A_442] : memref<10000x128xf32, #tpu.memory_space<hbm>> -> memref<10000x128xf32, #tpu.memory_space<hbm>>
      tpu.enqueue_indirect_dma source(%dma_start3A_443 : memref<10000x128xf32, #tpu.memory_space<hbm>>) target(%arg10 : memref<125x128xf32, #tpu.memory_space<vmem>>) offsets(%dma_start3A_440 : memref<125xi32, #tpu.memory_space<vmem>>) semaphore(%arg13 : memref<!tpu.dma_semaphore, #tpu.memory_space<semaphore_mem>>)
      %dma_wait3A_444 = arith.constant 3 : i32
      %dma_wait3A_445 = arith.constant 0 : i32
      %dma_wait3A_446 = tpu.memref_slice %arg7[%dma_wait3A_444, %dma_wait3A_445] : memref<8x125xi32, #tpu.memory_space<vmem>> -> memref<1x125xi32, #tpu.memory_space<vmem>>
      %dma_wait3A_447 = tpu.memref_squeeze %dma_wait3A_446 : memref<1x125xi32, #tpu.memory_space<vmem>> -> memref<125xi32, #tpu.memory_space<vmem>>
      %dma_wait3A_448 = arith.constant 0 : i32
      %dma_wait3A_449 = arith.constant 0 : i32
      %dma_wait3A_450 = tpu.memref_slice %arg3[%dma_wait3A_448, %dma_wait3A_449] : memref<10000x128xf32, #tpu.memory_space<hbm>> -> memref<10000x128xf32, #tpu.memory_space<hbm>>
      tpu.wait_indirect_dma semaphore(%arg13 : memref<!tpu.dma_semaphore, #tpu.memory_space<semaphore_mem>>) src(%dma_wait3A_450 : memref<10000x128xf32, #tpu.memory_space<hbm>>) dst(%arg10 : memref<125x128xf32, #tpu.memory_space<vmem>>)
      %dma_start3A_451 = arith.constant 3 : i32
      %dma_start3A_452 = arith.constant 0 : i32
      %dma_start3A_453 = tpu.memref_slice %arg8[%dma_start3A_451, %dma_start3A_452] : memref<8x125xi32, #tpu.memory_space<vmem>> -> memref<1x125xi32, #tpu.memory_space<vmem>>
      %dma_start3A_454 = tpu.memref_squeeze %dma_start3A_453 : memref<1x125xi32, #tpu.memory_space<vmem>> -> memref<125xi32, #tpu.memory_space<vmem>>
      %dma_start3A_455 = arith.constant 0 : i32
      %dma_start3A_456 = arith.constant 0 : i32
      %dma_start3A_457 = tpu.memref_slice %arg11[%dma_start3A_455, %dma_start3A_456] : memref<10240x128xf32, #tpu.memory_space<vmem_shared>> -> memref<10240x128xf32, #tpu.memory_space<vmem_shared>>
      tpu.enqueue_indirect_dma source(%arg10 : memref<125x128xf32, #tpu.memory_space<vmem>>) target(%dma_start3A_457 : memref<10240x128xf32, #tpu.memory_space<vmem_shared>>) offsets(%dma_start3A_454 : memref<125xi32, #tpu.memory_space<vmem>>) semaphore(%arg15 : memref<!tpu.dma_semaphore, #tpu.memory_space<semaphore_mem>>) {add = true}
      %dma_wait3A_458 = arith.constant 3 : i32
      %dma_wait3A_459 = arith.constant 0 : i32
      %dma_wait3A_460 = tpu.memref_slice %arg8[%dma_wait3A_458, %dma_wait3A_459] : memref<8x125xi32, #tpu.memory_space<vmem>> -> memref<1x125xi32, #tpu.memory_space<vmem>>
      %dma_wait3A_461 = tpu.memref_squeeze %dma_wait3A_460 : memref<1x125xi32, #tpu.memory_space<vmem>> -> memref<125xi32, #tpu.memory_space<vmem>>
      %dma_wait3A_462 = arith.constant 0 : i32
      %dma_wait3A_463 = arith.constant 0 : i32
      %dma_wait3A_464 = tpu.memref_slice %arg11[%dma_wait3A_462, %dma_wait3A_463] : memref<10240x128xf32, #tpu.memory_space<vmem_shared>> -> memref<10240x128xf32, #tpu.memory_space<vmem_shared>>
      tpu.wait_indirect_dma semaphore(%arg14 : memref<!tpu.dma_semaphore, #tpu.memory_space<semaphore_mem>>) src(%arg9 : memref<125x128xf32, #tpu.memory_space<vmem>>) dst(%dma_wait3A_464 : memref<10240x128xf32, #tpu.memory_space<vmem_shared>>)
      %dma_start3A_465 = arith.constant 4 : i32
      %dma_start3A_466 = arith.constant 0 : i32
      %dma_start3A_467 = tpu.memref_slice %arg7[%dma_start3A_465, %dma_start3A_466] : memref<8x125xi32, #tpu.memory_space<vmem>> -> memref<1x125xi32, #tpu.memory_space<vmem>>
      %dma_start3A_468 = tpu.memref_squeeze %dma_start3A_467 : memref<1x125xi32, #tpu.memory_space<vmem>> -> memref<125xi32, #tpu.memory_space<vmem>>
      %dma_start3A_469 = arith.constant 0 : i32
      %dma_start3A_470 = arith.constant 0 : i32
      %dma_start3A_471 = tpu.memref_slice %arg3[%dma_start3A_469, %dma_start3A_470] : memref<10000x128xf32, #tpu.memory_space<hbm>> -> memref<10000x128xf32, #tpu.memory_space<hbm>>
      tpu.enqueue_indirect_dma source(%dma_start3A_471 : memref<10000x128xf32, #tpu.memory_space<hbm>>) target(%arg9 : memref<125x128xf32, #tpu.memory_space<vmem>>) offsets(%dma_start3A_468 : memref<125xi32, #tpu.memory_space<vmem>>) semaphore(%arg12 : memref<!tpu.dma_semaphore, #tpu.memory_space<semaphore_mem>>)
      %dma_wait3A_472 = arith.constant 4 : i32
      %dma_wait3A_473 = arith.constant 0 : i32
      %dma_wait3A_474 = tpu.memref_slice %arg7[%dma_wait3A_472, %dma_wait3A_473] : memref<8x125xi32, #tpu.memory_space<vmem>> -> memref<1x125xi32, #tpu.memory_space<vmem>>
      %dma_wait3A_475 = tpu.memref_squeeze %dma_wait3A_474 : memref<1x125xi32, #tpu.memory_space<vmem>> -> memref<125xi32, #tpu.memory_space<vmem>>
      %dma_wait3A_476 = arith.constant 0 : i32
      %dma_wait3A_477 = arith.constant 0 : i32
      %dma_wait3A_478 = tpu.memref_slice %arg3[%dma_wait3A_476, %dma_wait3A_477] : memref<10000x128xf32, #tpu.memory_space<hbm>> -> memref<10000x128xf32, #tpu.memory_space<hbm>>
      tpu.wait_indirect_dma semaphore(%arg12 : memref<!tpu.dma_semaphore, #tpu.memory_space<semaphore_mem>>) src(%dma_wait3A_478 : memref<10000x128xf32, #tpu.memory_space<hbm>>) dst(%arg9 : memref<125x128xf32, #tpu.memory_space<vmem>>)
      %dma_start3A_479 = arith.constant 4 : i32
      %dma_start3A_480 = arith.constant 0 : i32
      %dma_start3A_481 = tpu.memref_slice %arg8[%dma_start3A_479, %dma_start3A_480] : memref<8x125xi32, #tpu.memory_space<vmem>> -> memref<1x125xi32, #tpu.memory_space<vmem>>
      %dma_start3A_482 = tpu.memref_squeeze %dma_start3A_481 : memref<1x125xi32, #tpu.memory_space<vmem>> -> memref<125xi32, #tpu.memory_space<vmem>>
      %dma_start3A_483 = arith.constant 0 : i32
      %dma_start3A_484 = arith.constant 0 : i32
      %dma_start3A_485 = tpu.memref_slice %arg11[%dma_start3A_483, %dma_start3A_484] : memref<10240x128xf32, #tpu.memory_space<vmem_shared>> -> memref<10240x128xf32, #tpu.memory_space<vmem_shared>>
      tpu.enqueue_indirect_dma source(%arg9 : memref<125x128xf32, #tpu.memory_space<vmem>>) target(%dma_start3A_485 : memref<10240x128xf32, #tpu.memory_space<vmem_shared>>) offsets(%dma_start3A_482 : memref<125xi32, #tpu.memory_space<vmem>>) semaphore(%arg14 : memref<!tpu.dma_semaphore, #tpu.memory_space<semaphore_mem>>) {add = true}
      %dma_wait3A_486 = arith.constant 4 : i32
      %dma_wait3A_487 = arith.constant 0 : i32
      %dma_wait3A_488 = tpu.memref_slice %arg8[%dma_wait3A_486, %dma_wait3A_487] : memref<8x125xi32, #tpu.memory_space<vmem>> -> memref<1x125xi32, #tpu.memory_space<vmem>>
      %dma_wait3A_489 = tpu.memref_squeeze %dma_wait3A_488 : memref<1x125xi32, #tpu.memory_space<vmem>> -> memref<125xi32, #tpu.memory_space<vmem>>
      %dma_wait3A_490 = arith.constant 0 : i32
      %dma_wait3A_491 = arith.constant 0 : i32
      %dma_wait3A_492 = tpu.memref_slice %arg11[%dma_wait3A_490, %dma_wait3A_491] : memref<10240x128xf32, #tpu.memory_space<vmem_shared>> -> memref<10240x128xf32, #tpu.memory_space<vmem_shared>>
      tpu.wait_indirect_dma semaphore(%arg15 : memref<!tpu.dma_semaphore, #tpu.memory_space<semaphore_mem>>) src(%arg10 : memref<125x128xf32, #tpu.memory_space<vmem>>) dst(%dma_wait3A_492 : memref<10240x128xf32, #tpu.memory_space<vmem_shared>>)
      %dma_start3A_493 = arith.constant 5 : i32
      %dma_start3A_494 = arith.constant 0 : i32
      %dma_start3A_495 = tpu.memref_slice %arg7[%dma_start3A_493, %dma_start3A_494] : memref<8x125xi32, #tpu.memory_space<vmem>> -> memref<1x125xi32, #tpu.memory_space<vmem>>
      %dma_start3A_496 = tpu.memref_squeeze %dma_start3A_495 : memref<1x125xi32, #tpu.memory_space<vmem>> -> memref<125xi32, #tpu.memory_space<vmem>>
      %dma_start3A_497 = arith.constant 0 : i32
      %dma_start3A_498 = arith.constant 0 : i32
      %dma_start3A_499 = tpu.memref_slice %arg3[%dma_start3A_497, %dma_start3A_498] : memref<10000x128xf32, #tpu.memory_space<hbm>> -> memref<10000x128xf32, #tpu.memory_space<hbm>>
      tpu.enqueue_indirect_dma source(%dma_start3A_499 : memref<10000x128xf32, #tpu.memory_space<hbm>>) target(%arg10 : memref<125x128xf32, #tpu.memory_space<vmem>>) offsets(%dma_start3A_496 : memref<125xi32, #tpu.memory_space<vmem>>) semaphore(%arg13 : memref<!tpu.dma_semaphore, #tpu.memory_space<semaphore_mem>>)
      %dma_wait3A_500 = arith.constant 5 : i32
      %dma_wait3A_501 = arith.constant 0 : i32
      %dma_wait3A_502 = tpu.memref_slice %arg7[%dma_wait3A_500, %dma_wait3A_501] : memref<8x125xi32, #tpu.memory_space<vmem>> -> memref<1x125xi32, #tpu.memory_space<vmem>>
      %dma_wait3A_503 = tpu.memref_squeeze %dma_wait3A_502 : memref<1x125xi32, #tpu.memory_space<vmem>> -> memref<125xi32, #tpu.memory_space<vmem>>
      %dma_wait3A_504 = arith.constant 0 : i32
      %dma_wait3A_505 = arith.constant 0 : i32
      %dma_wait3A_506 = tpu.memref_slice %arg3[%dma_wait3A_504, %dma_wait3A_505] : memref<10000x128xf32, #tpu.memory_space<hbm>> -> memref<10000x128xf32, #tpu.memory_space<hbm>>
      tpu.wait_indirect_dma semaphore(%arg13 : memref<!tpu.dma_semaphore, #tpu.memory_space<semaphore_mem>>) src(%dma_wait3A_506 : memref<10000x128xf32, #tpu.memory_space<hbm>>) dst(%arg10 : memref<125x128xf32, #tpu.memory_space<vmem>>)
      %dma_start3A_507 = arith.constant 5 : i32
      %dma_start3A_508 = arith.constant 0 : i32
      %dma_start3A_509 = tpu.memref_slice %arg8[%dma_start3A_507, %dma_start3A_508] : memref<8x125xi32, #tpu.memory_space<vmem>> -> memref<1x125xi32, #tpu.memory_space<vmem>>
      %dma_start3A_510 = tpu.memref_squeeze %dma_start3A_509 : memref<1x125xi32, #tpu.memory_space<vmem>> -> memref<125xi32, #tpu.memory_space<vmem>>
      %dma_start3A_511 = arith.constant 0 : i32
      %dma_start3A_512 = arith.constant 0 : i32
      %dma_start3A_513 = tpu.memref_slice %arg11[%dma_start3A_511, %dma_start3A_512] : memref<10240x128xf32, #tpu.memory_space<vmem_shared>> -> memref<10240x128xf32, #tpu.memory_space<vmem_shared>>
      tpu.enqueue_indirect_dma source(%arg10 : memref<125x128xf32, #tpu.memory_space<vmem>>) target(%dma_start3A_513 : memref<10240x128xf32, #tpu.memory_space<vmem_shared>>) offsets(%dma_start3A_510 : memref<125xi32, #tpu.memory_space<vmem>>) semaphore(%arg15 : memref<!tpu.dma_semaphore, #tpu.memory_space<semaphore_mem>>) {add = true}
      %dma_wait3A_514 = arith.constant 5 : i32
      %dma_wait3A_515 = arith.constant 0 : i32
      %dma_wait3A_516 = tpu.memref_slice %arg8[%dma_wait3A_514, %dma_wait3A_515] : memref<8x125xi32, #tpu.memory_space<vmem>> -> memref<1x125xi32, #tpu.memory_space<vmem>>
      %dma_wait3A_517 = tpu.memref_squeeze %dma_wait3A_516 : memref<1x125xi32, #tpu.memory_space<vmem>> -> memref<125xi32, #tpu.memory_space<vmem>>
      %dma_wait3A_518 = arith.constant 0 : i32
      %dma_wait3A_519 = arith.constant 0 : i32
      %dma_wait3A_520 = tpu.memref_slice %arg11[%dma_wait3A_518, %dma_wait3A_519] : memref<10240x128xf32, #tpu.memory_space<vmem_shared>> -> memref<10240x128xf32, #tpu.memory_space<vmem_shared>>
      tpu.wait_indirect_dma semaphore(%arg14 : memref<!tpu.dma_semaphore, #tpu.memory_space<semaphore_mem>>) src(%arg9 : memref<125x128xf32, #tpu.memory_space<vmem>>) dst(%dma_wait3A_520 : memref<10240x128xf32, #tpu.memory_space<vmem_shared>>)
      %dma_start3A_521 = arith.constant 6 : i32
      %dma_start3A_522 = arith.constant 0 : i32
      %dma_start3A_523 = tpu.memref_slice %arg7[%dma_start3A_521, %dma_start3A_522] : memref<8x125xi32, #tpu.memory_space<vmem>> -> memref<1x125xi32, #tpu.memory_space<vmem>>
      %dma_start3A_524 = tpu.memref_squeeze %dma_start3A_523 : memref<1x125xi32, #tpu.memory_space<vmem>> -> memref<125xi32, #tpu.memory_space<vmem>>
      %dma_start3A_525 = arith.constant 0 : i32
      %dma_start3A_526 = arith.constant 0 : i32
      %dma_start3A_527 = tpu.memref_slice %arg3[%dma_start3A_525, %dma_start3A_526] : memref<10000x128xf32, #tpu.memory_space<hbm>> -> memref<10000x128xf32, #tpu.memory_space<hbm>>
      tpu.enqueue_indirect_dma source(%dma_start3A_527 : memref<10000x128xf32, #tpu.memory_space<hbm>>) target(%arg9 : memref<125x128xf32, #tpu.memory_space<vmem>>) offsets(%dma_start3A_524 : memref<125xi32, #tpu.memory_space<vmem>>) semaphore(%arg12 : memref<!tpu.dma_semaphore, #tpu.memory_space<semaphore_mem>>)
      %dma_wait3A_528 = arith.constant 6 : i32
      %dma_wait3A_529 = arith.constant 0 : i32
      %dma_wait3A_530 = tpu.memref_slice %arg7[%dma_wait3A_528, %dma_wait3A_529] : memref<8x125xi32, #tpu.memory_space<vmem>> -> memref<1x125xi32, #tpu.memory_space<vmem>>
      %dma_wait3A_531 = tpu.memref_squeeze %dma_wait3A_530 : memref<1x125xi32, #tpu.memory_space<vmem>> -> memref<125xi32, #tpu.memory_space<vmem>>
      %dma_wait3A_532 = arith.constant 0 : i32
      %dma_wait3A_533 = arith.constant 0 : i32
      %dma_wait3A_534 = tpu.memref_slice %arg3[%dma_wait3A_532, %dma_wait3A_533] : memref<10000x128xf32, #tpu.memory_space<hbm>> -> memref<10000x128xf32, #tpu.memory_space<hbm>>
      tpu.wait_indirect_dma semaphore(%arg12 : memref<!tpu.dma_semaphore, #tpu.memory_space<semaphore_mem>>) src(%dma_wait3A_534 : memref<10000x128xf32, #tpu.memory_space<hbm>>) dst(%arg9 : memref<125x128xf32, #tpu.memory_space<vmem>>)
      %dma_start3A_535 = arith.constant 6 : i32
      %dma_start3A_536 = arith.constant 0 : i32
      %dma_start3A_537 = tpu.memref_slice %arg8[%dma_start3A_535, %dma_start3A_536] : memref<8x125xi32, #tpu.memory_space<vmem>> -> memref<1x125xi32, #tpu.memory_space<vmem>>
      %dma_start3A_538 = tpu.memref_squeeze %dma_start3A_537 : memref<1x125xi32, #tpu.memory_space<vmem>> -> memref<125xi32, #tpu.memory_space<vmem>>
      %dma_start3A_539 = arith.constant 0 : i32
      %dma_start3A_540 = arith.constant 0 : i32
      %dma_start3A_541 = tpu.memref_slice %arg11[%dma_start3A_539, %dma_start3A_540] : memref<10240x128xf32, #tpu.memory_space<vmem_shared>> -> memref<10240x128xf32, #tpu.memory_space<vmem_shared>>
      tpu.enqueue_indirect_dma source(%arg9 : memref<125x128xf32, #tpu.memory_space<vmem>>) target(%dma_start3A_541 : memref<10240x128xf32, #tpu.memory_space<vmem_shared>>) offsets(%dma_start3A_538 : memref<125xi32, #tpu.memory_space<vmem>>) semaphore(%arg14 : memref<!tpu.dma_semaphore, #tpu.memory_space<semaphore_mem>>) {add = true}
      %dma_wait3A_542 = arith.constant 6 : i32
      %dma_wait3A_543 = arith.constant 0 : i32
      %dma_wait3A_544 = tpu.memref_slice %arg8[%dma_wait3A_542, %dma_wait3A_543] : memref<8x125xi32, #tpu.memory_space<vmem>> -> memref<1x125xi32, #tpu.memory_space<vmem>>
      %dma_wait3A_545 = tpu.memref_squeeze %dma_wait3A_544 : memref<1x125xi32, #tpu.memory_space<vmem>> -> memref<125xi32, #tpu.memory_space<vmem>>
      %dma_wait3A_546 = arith.constant 0 : i32
      %dma_wait3A_547 = arith.constant 0 : i32
      %dma_wait3A_548 = tpu.memref_slice %arg11[%dma_wait3A_546, %dma_wait3A_547] : memref<10240x128xf32, #tpu.memory_space<vmem_shared>> -> memref<10240x128xf32, #tpu.memory_space<vmem_shared>>
      tpu.wait_indirect_dma semaphore(%arg15 : memref<!tpu.dma_semaphore, #tpu.memory_space<semaphore_mem>>) src(%arg10 : memref<125x128xf32, #tpu.memory_space<vmem>>) dst(%dma_wait3A_548 : memref<10240x128xf32, #tpu.memory_space<vmem_shared>>)
      %dma_start3A_549 = arith.constant 7 : i32
      %dma_start3A_550 = arith.constant 0 : i32
      %dma_start3A_551 = tpu.memref_slice %arg7[%dma_start3A_549, %dma_start3A_550] : memref<8x125xi32, #tpu.memory_space<vmem>> -> memref<1x125xi32, #tpu.memory_space<vmem>>
      %dma_start3A_552 = tpu.memref_squeeze %dma_start3A_551 : memref<1x125xi32, #tpu.memory_space<vmem>> -> memref<125xi32, #tpu.memory_space<vmem>>
      %dma_start3A_553 = arith.constant 0 : i32
      %dma_start3A_554 = arith.constant 0 : i32
      %dma_start3A_555 = tpu.memref_slice %arg3[%dma_start3A_553, %dma_start3A_554] : memref<10000x128xf32, #tpu.memory_space<hbm>> -> memref<10000x128xf32, #tpu.memory_space<hbm>>
      tpu.enqueue_indirect_dma source(%dma_start3A_555 : memref<10000x128xf32, #tpu.memory_space<hbm>>) target(%arg10 : memref<125x128xf32, #tpu.memory_space<vmem>>) offsets(%dma_start3A_552 : memref<125xi32, #tpu.memory_space<vmem>>) semaphore(%arg13 : memref<!tpu.dma_semaphore, #tpu.memory_space<semaphore_mem>>)
      %dma_wait3A_556 = arith.constant 7 : i32
      %dma_wait3A_557 = arith.constant 0 : i32
      %dma_wait3A_558 = tpu.memref_slice %arg7[%dma_wait3A_556, %dma_wait3A_557] : memref<8x125xi32, #tpu.memory_space<vmem>> -> memref<1x125xi32, #tpu.memory_space<vmem>>
      %dma_wait3A_559 = tpu.memref_squeeze %dma_wait3A_558 : memref<1x125xi32, #tpu.memory_space<vmem>> -> memref<125xi32, #tpu.memory_space<vmem>>
      %dma_wait3A_560 = arith.constant 0 : i32
      %dma_wait3A_561 = arith.constant 0 : i32
      %dma_wait3A_562 = tpu.memref_slice %arg3[%dma_wait3A_560, %dma_wait3A_561] : memref<10000x128xf32, #tpu.memory_space<hbm>> -> memref<10000x128xf32, #tpu.memory_space<hbm>>
      tpu.wait_indirect_dma semaphore(%arg13 : memref<!tpu.dma_semaphore, #tpu.memory_space<semaphore_mem>>) src(%dma_wait3A_562 : memref<10000x128xf32, #tpu.memory_space<hbm>>) dst(%arg10 : memref<125x128xf32, #tpu.memory_space<vmem>>)
      %dma_start3A_563 = arith.constant 7 : i32
      %dma_start3A_564 = arith.constant 0 : i32
      %dma_start3A_565 = tpu.memref_slice %arg8[%dma_start3A_563, %dma_start3A_564] : memref<8x125xi32, #tpu.memory_space<vmem>> -> memref<1x125xi32, #tpu.memory_space<vmem>>
      %dma_start3A_566 = tpu.memref_squeeze %dma_start3A_565 : memref<1x125xi32, #tpu.memory_space<vmem>> -> memref<125xi32, #tpu.memory_space<vmem>>
      %dma_start3A_567 = arith.constant 0 : i32
      %dma_start3A_568 = arith.constant 0 : i32
      %dma_start3A_569 = tpu.memref_slice %arg11[%dma_start3A_567, %dma_start3A_568] : memref<10240x128xf32, #tpu.memory_space<vmem_shared>> -> memref<10240x128xf32, #tpu.memory_space<vmem_shared>>
      tpu.enqueue_indirect_dma source(%arg10 : memref<125x128xf32, #tpu.memory_space<vmem>>) target(%dma_start3A_569 : memref<10240x128xf32, #tpu.memory_space<vmem_shared>>) offsets(%dma_start3A_566 : memref<125xi32, #tpu.memory_space<vmem>>) semaphore(%arg15 : memref<!tpu.dma_semaphore, #tpu.memory_space<semaphore_mem>>) {add = true}
      %dma_wait3A_570 = arith.constant 7 : i32
      %dma_wait3A_571 = arith.constant 0 : i32
      %dma_wait3A_572 = tpu.memref_slice %arg8[%dma_wait3A_570, %dma_wait3A_571] : memref<8x125xi32, #tpu.memory_space<vmem>> -> memref<1x125xi32, #tpu.memory_space<vmem>>
      %dma_wait3A_573 = tpu.memref_squeeze %dma_wait3A_572 : memref<1x125xi32, #tpu.memory_space<vmem>> -> memref<125xi32, #tpu.memory_space<vmem>>
      %dma_wait3A_574 = arith.constant 0 : i32
      %dma_wait3A_575 = arith.constant 0 : i32
      %dma_wait3A_576 = tpu.memref_slice %arg11[%dma_wait3A_574, %dma_wait3A_575] : memref<10240x128xf32, #tpu.memory_space<vmem_shared>> -> memref<10240x128xf32, #tpu.memory_space<vmem_shared>>
      tpu.wait_indirect_dma semaphore(%arg14 : memref<!tpu.dma_semaphore, #tpu.memory_space<semaphore_mem>>) src(%arg9 : memref<125x128xf32, #tpu.memory_space<vmem>>) dst(%dma_wait3A_576 : memref<10240x128xf32, #tpu.memory_space<vmem_shared>>)
      %lt3A_577 = arith.constant 4 : i32
      %lt3A_578 = arith.cmpi slt, %scan3A_41, %lt3A_577 : i32
      %convert_element_type3A_579 = arith.extui %lt3A_578 : i1 to i32
      %cond3A_580 = arith.constant 0 : i32
      %cond3A_581 = arith.cmpi ne, %convert_element_type3A_579, %cond3A_580 : i32
      scf.if %cond3A_581 {
        %dma_wait3A_582 = arith.constant 0 : i32
        %dma_wait3A_583 = arith.constant 0 : i32
        %dma_wait3A_584 = arith.constant 0 : i32
        %dma_wait3A_585 = arith.constant 0 : i32
        %dma_wait3A_586 = arith.constant 0 : i32
        %dma_wait3A_587 = arith.constant 0 : i32
        %dma_wait3A_588 = tpu.memref_slice %arg2[%scan3A_21, %dma_wait3A_583, %dma_wait3A_584, %dma_wait3A_585, %dma_wait3A_586, %dma_wait3A_587] : memref<2x2x16x10x8x125xi32, #tpu.memory_space<hbm>> -> memref<1x2x16x10x8x125xi32, #tpu.memory_space<hbm>>
        %dma_wait3A_589 = tpu.memref_squeeze %dma_wait3A_588 : memref<1x2x16x10x8x125xi32, #tpu.memory_space<hbm>> -> memref<2x16x10x8x125xi32, #tpu.memory_space<hbm>>
        %dma_wait3A_590 = arith.constant 0 : i32
        %dma_wait3A_591 = arith.constant 0 : i32
        %dma_wait3A_592 = tpu.memref_slice %dma_wait3A_589[%arg0, %arg1, %dma_wait3A_582, %dma_wait3A_590, %dma_wait3A_591] : memref<2x16x10x8x125xi32, #tpu.memory_space<hbm>> -> memref<1x1x1x8x125xi32, #tpu.memory_space<hbm>>
        %dma_wait3A_593 = tpu.memref_squeeze %dma_wait3A_592 : memref<1x1x1x8x125xi32, #tpu.memory_space<hbm>> -> memref<8x125xi32, #tpu.memory_space<hbm>>
        %dma_wait3A_594 = arith.constant 0 : i32
        %dma_wait3A_595 = arith.constant 0 : i32
        %dma_wait3A_596 = arith.constant 0 : i32
        %dma_wait3A_597 = arith.constant 0 : i32
        %dma_wait3A_598 = arith.constant 0 : i32
        %dma_wait3A_599 = tpu.memref_slice %arg2[%scan3A_21, %dma_wait3A_594, %dma_wait3A_595, %dma_wait3A_596, %dma_wait3A_597, %dma_wait3A_598] : memref<2x2x16x10x8x125xi32, #tpu.memory_space<hbm>> -> memref<1x2x16x10x8x125xi32, #tpu.memory_space<hbm>>
        %dma_wait3A_600 = tpu.memref_squeeze %dma_wait3A_599 : memref<1x2x16x10x8x125xi32, #tpu.memory_space<hbm>> -> memref<2x16x10x8x125xi32, #tpu.memory_space<hbm>>
        %dma_wait3A_601 = arith.constant 0 : i32
        %dma_wait3A_602 = arith.constant 0 : i32
        %dma_wait3A_603 = tpu.memref_slice %dma_wait3A_600[%arg0, %arg1, %dma_wait3A_582, %dma_wait3A_601, %dma_wait3A_602] : memref<2x16x10x8x125xi32, #tpu.memory_space<hbm>> -> memref<1x1x1x8x125xi32, #tpu.memory_space<hbm>>
        %dma_wait3A_604 = tpu.memref_squeeze %dma_wait3A_603 : memref<1x1x1x8x125xi32, #tpu.memory_space<hbm>> -> memref<8x125xi32, #tpu.memory_space<hbm>>
        tpu.wait_dma2 semaphore(%arg16 : memref<!tpu.dma_semaphore, #tpu.memory_space<semaphore_mem>>) src(%dma_wait3A_604 : memref<8x125xi32, #tpu.memory_space<hbm>>) dst(%arg5 : memref<8x125xi32, #tpu.memory_space<vmem>>)
        %dma_wait3A_605 = arith.constant 0 : i32
        %dma_wait3A_606 = arith.constant 0 : i32
        %dma_wait3A_607 = arith.constant 0 : i32
        %dma_wait3A_608 = arith.constant 0 : i32
        %dma_wait3A_609 = arith.constant 0 : i32
        %dma_wait3A_610 = arith.constant 0 : i32
        %dma_wait3A_611 = tpu.memref_slice %arg2[%scan3A_22, %dma_wait3A_606, %dma_wait3A_607, %dma_wait3A_608, %dma_wait3A_609, %dma_wait3A_610] : memref<2x2x16x10x8x125xi32, #tpu.memory_space<hbm>> -> memref<1x2x16x10x8x125xi32, #tpu.memory_space<hbm>>
        %dma_wait3A_612 = tpu.memref_squeeze %dma_wait3A_611 : memref<1x2x16x10x8x125xi32, #tpu.memory_space<hbm>> -> memref<2x16x10x8x125xi32, #tpu.memory_space<hbm>>
        %dma_wait3A_613 = arith.constant 0 : i32
        %dma_wait3A_614 = arith.constant 0 : i32
        %dma_wait3A_615 = tpu.memref_slice %dma_wait3A_612[%arg0, %arg1, %dma_wait3A_605, %dma_wait3A_613, %dma_wait3A_614] : memref<2x16x10x8x125xi32, #tpu.memory_space<hbm>> -> memref<1x1x1x8x125xi32, #tpu.memory_space<hbm>>
        %dma_wait3A_616 = tpu.memref_squeeze %dma_wait3A_615 : memref<1x1x1x8x125xi32, #tpu.memory_space<hbm>> -> memref<8x125xi32, #tpu.memory_space<hbm>>
        %dma_wait3A_617 = arith.constant 0 : i32
        %dma_wait3A_618 = arith.constant 0 : i32
        %dma_wait3A_619 = arith.constant 0 : i32
        %dma_wait3A_620 = arith.constant 0 : i32
        %dma_wait3A_621 = arith.constant 0 : i32
        %dma_wait3A_622 = tpu.memref_slice %arg2[%scan3A_22, %dma_wait3A_617, %dma_wait3A_618, %dma_wait3A_619, %dma_wait3A_620, %dma_wait3A_621] : memref<2x2x16x10x8x125xi32, #tpu.memory_space<hbm>> -> memref<1x2x16x10x8x125xi32, #tpu.memory_space<hbm>>
        %dma_wait3A_623 = tpu.memref_squeeze %dma_wait3A_622 : memref<1x2x16x10x8x125xi32, #tpu.memory_space<hbm>> -> memref<2x16x10x8x125xi32, #tpu.memory_space<hbm>>
        %dma_wait3A_624 = arith.constant 0 : i32
        %dma_wait3A_625 = arith.constant 0 : i32
        %dma_wait3A_626 = tpu.memref_slice %dma_wait3A_623[%arg0, %arg1, %dma_wait3A_605, %dma_wait3A_624, %dma_wait3A_625] : memref<2x16x10x8x125xi32, #tpu.memory_space<hbm>> -> memref<1x1x1x8x125xi32, #tpu.memory_space<hbm>>
        %dma_wait3A_627 = tpu.memref_squeeze %dma_wait3A_626 : memref<1x1x1x8x125xi32, #tpu.memory_space<hbm>> -> memref<8x125xi32, #tpu.memory_space<hbm>>
        tpu.wait_dma2 semaphore(%arg16 : memref<!tpu.dma_semaphore, #tpu.memory_space<semaphore_mem>>) src(%dma_wait3A_627 : memref<8x125xi32, #tpu.memory_space<hbm>>) dst(%arg6 : memref<8x125xi32, #tpu.memory_space<vmem>>)
        %dma_start3A_628 = arith.constant 0 : i32
        %dma_start3A_629 = arith.constant 0 : i32
        %dma_start3A_630 = tpu.memref_slice %arg5[%dma_start3A_628, %dma_start3A_629] : memref<8x125xi32, #tpu.memory_space<vmem>> -> memref<1x125xi32, #tpu.memory_space<vmem>>
        %dma_start3A_631 = tpu.memref_squeeze %dma_start3A_630 : memref<1x125xi32, #tpu.memory_space<vmem>> -> memref<125xi32, #tpu.memory_space<vmem>>
        %dma_start3A_632 = arith.constant 0 : i32
        %dma_start3A_633 = arith.constant 0 : i32
        %dma_start3A_634 = tpu.memref_slice %arg3[%dma_start3A_632, %dma_start3A_633] : memref<10000x128xf32, #tpu.memory_space<hbm>> -> memref<10000x128xf32, #tpu.memory_space<hbm>>
        tpu.enqueue_indirect_dma source(%dma_start3A_634 : memref<10000x128xf32, #tpu.memory_space<hbm>>) target(%arg9 : memref<125x128xf32, #tpu.memory_space<vmem>>) offsets(%dma_start3A_631 : memref<125xi32, #tpu.memory_space<vmem>>) semaphore(%arg12 : memref<!tpu.dma_semaphore, #tpu.memory_space<semaphore_mem>>)
      } else {
      }
    }
    %scan3A_27 = arith.constant 5 : i32
    %dma_wait3A = arith.constant 7 : i32
    %dma_wait3A_28 = arith.constant 0 : i32
    %dma_wait3A_29 = tpu.memref_slice %arg8[%dma_wait3A, %dma_wait3A_28] : memref<8x125xi32, #tpu.memory_space<vmem>> -> memref<1x125xi32, #tpu.memory_space<vmem>>
    %dma_wait3A_30 = tpu.memref_squeeze %dma_wait3A_29 : memref<1x125xi32, #tpu.memory_space<vmem>> -> memref<125xi32, #tpu.memory_space<vmem>>
    %dma_wait3A_31 = arith.constant 0 : i32
    %dma_wait3A_32 = arith.constant 0 : i32
    %dma_wait3A_33 = tpu.memref_slice %arg11[%dma_wait3A_31, %dma_wait3A_32] : memref<10240x128xf32, #tpu.memory_space<vmem_shared>> -> memref<10240x128xf32, #tpu.memory_space<vmem_shared>>
    tpu.wait_indirect_dma semaphore(%arg15 : memref<!tpu.dma_semaphore, #tpu.memory_space<semaphore_mem>>) src(%arg10 : memref<125x128xf32, #tpu.memory_space<vmem>>) dst(%dma_wait3A_33 : memref<10240x128xf32, #tpu.memory_space<vmem_shared>>)
    %barrier3A_34 = arith.constant 0 : index
    tpu.barrier barrier_id(%barrier3A_34)
    %scan3A_35 = arith.constant 0 : i32
    %scan3A_36 = arith.constant 0 : i32
    %scan3A_37 = arith.constant 8 : i32
    %scan3A_38 = arith.addi %scan3A_36, %scan3A_37 : i32
    %scan3A_39 = arith.constant 1 : i32
    scf.for %scan3A_41 = %scan3A_36 to %scan3A_38 step %scan3A_39  : i32 {
      %mul3A = arith.constant 640 : i32
      %mul3A_42 = arith.muli %arg1, %mul3A : i32
      %mul3A_43 = arith.constant 80 : i32
      %mul3A_44 = arith.muli %scan3A_41, %mul3A_43 : i32
      %add3A = arith.addi %mul3A_42, %mul3A_44 : i32
      "tpu.region"() ({
        %run_scoped3A_45 = tpu.sem_alloc : memref<!tpu.dma_semaphore, #tpu.memory_space<semaphore_mem>>
        %dma_start3A_46 = arith.constant 0 : i32
        %dma_start3A_47 = arith.constant 0 : i32
        %dma_start3A_48 = tpu.memref_slice %arg9[%dma_start3A_46, %dma_start3A_47] : memref<125x128xf32, #tpu.memory_space<vmem>> -> memref<80x128xf32, #tpu.memory_space<vmem>>
        %dma_start3A_49 = arith.constant 0 : i32
        %dma_start3A_50 = tpu.memref_slice %arg11[%add3A, %dma_start3A_49] : memref<10240x128xf32, #tpu.memory_space<vmem_shared>> -> memref<80x128xf32, #tpu.memory_space<vmem_shared>>
        %dma_start3A_51 = arith.constant 0 : i32
        %dma_start3A_52 = arith.constant 0 : i32
        %dma_start3A_53 = tpu.memref_slice %arg9[%dma_start3A_51, %dma_start3A_52] : memref<125x128xf32, #tpu.memory_space<vmem>> -> memref<80x128xf32, #tpu.memory_space<vmem>>
        %dma_start3A_54 = arith.constant 0 : i32
        %dma_start3A_55 = tpu.memref_slice %arg11[%add3A, %dma_start3A_54] : memref<10240x128xf32, #tpu.memory_space<vmem_shared>> -> memref<80x128xf32, #tpu.memory_space<vmem_shared>>
        tpu.enqueue_dma source(%dma_start3A_55 : memref<80x128xf32, #tpu.memory_space<vmem_shared>>) target(%dma_start3A_53 : memref<80x128xf32, #tpu.memory_space<vmem>>) target_semaphore(%run_scoped3A_45 : memref<!tpu.dma_semaphore, #tpu.memory_space<semaphore_mem>>)
        %dma_wait3A_56 = arith.constant 0 : i32
        %dma_wait3A_57 = arith.constant 0 : i32
        %dma_wait3A_58 = tpu.memref_slice %arg9[%dma_wait3A_56, %dma_wait3A_57] : memref<125x128xf32, #tpu.memory_space<vmem>> -> memref<80x128xf32, #tpu.memory_space<vmem>>
        %dma_wait3A_59 = arith.constant 0 : i32
        %dma_wait3A_60 = tpu.memref_slice %arg11[%add3A, %dma_wait3A_59] : memref<10240x128xf32, #tpu.memory_space<vmem_shared>> -> memref<80x128xf32, #tpu.memory_space<vmem_shared>>
        %dma_wait3A_61 = arith.constant 0 : i32
        %dma_wait3A_62 = arith.constant 0 : i32
        %dma_wait3A_63 = tpu.memref_slice %arg9[%dma_wait3A_61, %dma_wait3A_62] : memref<125x128xf32, #tpu.memory_space<vmem>> -> memref<80x128xf32, #tpu.memory_space<vmem>>
        %dma_wait3A_64 = arith.constant 0 : i32
        %dma_wait3A_65 = tpu.memref_slice %arg11[%add3A, %dma_wait3A_64] : memref<10240x128xf32, #tpu.memory_space<vmem_shared>> -> memref<80x128xf32, #tpu.memory_space<vmem_shared>>
        tpu.wait_dma2 semaphore(%run_scoped3A_45 : memref<!tpu.dma_semaphore, #tpu.memory_space<semaphore_mem>>) src(%dma_wait3A_65 : memref<80x128xf32, #tpu.memory_space<vmem_shared>>) dst(%dma_wait3A_63 : memref<80x128xf32, #tpu.memory_space<vmem>>)
        tpu.yield
      }) : () -> ()
      "tpu.region"() ({
        %run_scoped3A_45 = tpu.sem_alloc : memref<!tpu.dma_semaphore, #tpu.memory_space<semaphore_mem>>
        %dma_start3A_46 = arith.constant 0 : i32
        %dma_start3A_47 = arith.constant 0 : i32
        %dma_start3A_48 = tpu.memref_slice %arg9[%dma_start3A_46, %dma_start3A_47] : memref<125x128xf32, #tpu.memory_space<vmem>> -> memref<80x128xf32, #tpu.memory_space<vmem>>
        %dma_start3A_49 = arith.constant 0 : i32
        %dma_start3A_50 = tpu.memref_slice %arg4[%arg0, %add3A, %dma_start3A_49] : memref<2x10240x128xf32, #tpu.memory_space<hbm>> -> memref<1x80x128xf32, #tpu.memory_space<hbm>>
        %dma_start3A_51 = tpu.memref_squeeze %dma_start3A_50 : memref<1x80x128xf32, #tpu.memory_space<hbm>> -> memref<80x128xf32, #tpu.memory_space<hbm>>
        %dma_start3A_52 = arith.constant 0 : i32
        %dma_start3A_53 = tpu.memref_slice %arg4[%arg0, %add3A, %dma_start3A_52] : memref<2x10240x128xf32, #tpu.memory_space<hbm>> -> memref<1x80x128xf32, #tpu.memory_space<hbm>>
        %dma_start3A_54 = tpu.memref_squeeze %dma_start3A_53 : memref<1x80x128xf32, #tpu.memory_space<hbm>> -> memref<80x128xf32, #tpu.memory_space<hbm>>
        %dma_start3A_55 = arith.constant 0 : i32
        %dma_start3A_56 = arith.constant 0 : i32
        %dma_start3A_57 = tpu.memref_slice %arg9[%dma_start3A_55, %dma_start3A_56] : memref<125x128xf32, #tpu.memory_space<vmem>> -> memref<80x128xf32, #tpu.memory_space<vmem>>
        tpu.enqueue_dma source(%dma_start3A_57 : memref<80x128xf32, #tpu.memory_space<vmem>>) target(%dma_start3A_54 : memref<80x128xf32, #tpu.memory_space<hbm>>) target_semaphore(%run_scoped3A_45 : memref<!tpu.dma_semaphore, #tpu.memory_space<semaphore_mem>>)
        %dma_wait3A_58 = arith.constant 0 : i32
        %dma_wait3A_59 = arith.constant 0 : i32
        %dma_wait3A_60 = tpu.memref_slice %arg9[%dma_wait3A_58, %dma_wait3A_59] : memref<125x128xf32, #tpu.memory_space<vmem>> -> memref<80x128xf32, #tpu.memory_space<vmem>>
        %dma_wait3A_61 = arith.constant 0 : i32
        %dma_wait3A_62 = tpu.memref_slice %arg4[%arg0, %add3A, %dma_wait3A_61] : memref<2x10240x128xf32, #tpu.memory_space<hbm>> -> memref<1x80x128xf32, #tpu.memory_space<hbm>>
        %dma_wait3A_63 = tpu.memref_squeeze %dma_wait3A_62 : memref<1x80x128xf32, #tpu.memory_space<hbm>> -> memref<80x128xf32, #tpu.memory_space<hbm>>
        %dma_wait3A_64 = arith.constant 0 : i32
        %dma_wait3A_65 = tpu.memref_slice %arg4[%arg0, %add3A, %dma_wait3A_64] : memref<2x10240x128xf32, #tpu.memory_space<hbm>> -> memref<1x80x128xf32, #tpu.memory_space<hbm>>
        %dma_wait3A_66 = tpu.memref_squeeze %dma_wait3A_65 : memref<1x80x128xf32, #tpu.memory_space<hbm>> -> memref<80x128xf32, #tpu.memory_space<hbm>>
        %dma_wait3A_67 = arith.constant 0 : i32
        %dma_wait3A_68 = arith.constant 0 : i32
        %dma_wait3A_69 = tpu.memref_slice %arg9[%dma_wait3A_67, %dma_wait3A_68] : memref<125x128xf32, #tpu.memory_space<vmem>> -> memref<80x128xf32, #tpu.memory_space<vmem>>
        tpu.wait_dma2 semaphore(%run_scoped3A_45 : memref<!tpu.dma_semaphore, #tpu.memory_space<semaphore_mem>>) src(%dma_wait3A_69 : memref<80x128xf32, #tpu.memory_space<vmem>>) dst(%dma_wait3A_66 : memref<80x128xf32, #tpu.memory_space<hbm>>)
        tpu.yield
      }) : () -> ()
    }
    %scan3A_40 = arith.constant 8 : i32
    return
  }
}

module attributes {stable_mosaic.version = 14 : i64} {
  func.func @_tc2_body(%arg0: i32, %arg1: memref<1000x128xf32, #tpu.memory_space<vmem>>, %arg2: memref<2x1000x128xf32, #tpu.memory_space<vmem>>, %arg3: memref<128x128xf32, #tpu.memory_space<vmem>>, %arg4: memref<1x1x1000xi32, #tpu.memory_space<vmem>>, %arg5: memref<128x10xf32, #tpu.memory_space<vmem>>, %arg6: memref<1x10xf32, #tpu.memory_space<vmem>>, %arg7: memref<64x10xf32, #tpu.memory_space<vmem>>, %arg8: memref<64x128xf32, #tpu.memory_space<vmem>>, %arg9: memref<64x1xf32, #tpu.memory_space<vmem>>) attributes {dimension_semantics = [#tpu.dimension_semantics<arbitrary>], iteration_bounds = array<i64: 10>, scalar_prefetch = 0 : i64, scratch_operands = 2 : i64, tpu.core_type = #tpu.core_type<tc>, window_params = [{transform_indices = @transform_0, window_bounds = array<i64: 1000, 128>}, {transform_indices = @transform_1, window_bounds = array<i64: 2, 1000, 128>}, {pipeline_mode = #tpu.pipeline_mode<synchronous>, transform_indices = @transform_2, window_bounds = array<i64: 128, 128>}, {transform_indices = @transform_3, window_bounds = array<i64: 1, 1, 1000>}, {pipeline_mode = #tpu.pipeline_mode<synchronous>, transform_indices = @transform_4, window_bounds = array<i64: 128, 10>}, {pipeline_mode = #tpu.pipeline_mode<synchronous>, transform_indices = @transform_5, window_bounds = array<i64: 1, 10>}, {pipeline_mode = #tpu.pipeline_mode<synchronous>, transform_indices = @transform_6, window_bounds = array<i64: 64, 10>}]} {
    %eq3A = arith.constant 0 : i32
    %eq3A_0 = arith.cmpi eq, %arg0, %eq3A : i32
    %convert_element_type3A = arith.extui %eq3A_0 : i1 to i32
    %cond3A = arith.constant 0 : i32
    %cond3A_1 = arith.cmpi ne, %convert_element_type3A, %cond3A : i32
    scf.if %cond3A_1 {
      %broadcast_in_dim3A_52 = arith.constant 0.000000e+00 : f32
      %broadcast_in_dim3A_53 = vector.broadcast %broadcast_in_dim3A_52 : f32 to vector<64x128xf32>
      %swap3A_54 = arith.constant 0 : index
      %swap3A_55 = arith.constant 0 : index
      %swap3A_56 = vector.load %arg8[%swap3A_54, %swap3A_55] : memref<64x128xf32, #tpu.memory_space<vmem>>, vector<64x128xf32>
      tpu.vector_store %arg8[%swap3A_54, %swap3A_55], %broadcast_in_dim3A_53 {strides = array<i32>} : memref<64x128xf32, #tpu.memory_space<vmem>>, vector<64x128xf32>,
      %broadcast_in_dim3A_57 = arith.constant 0.000000e+00 : f32
      %broadcast_in_dim3A_58 = vector.broadcast %broadcast_in_dim3A_57 : f32 to vector<64x1xf32>
      %swap3A_59 = arith.constant 0 : index
      %swap3A_60 = arith.constant 0 : index
      %swap3A_61 = vector.load %arg9[%swap3A_59, %swap3A_60] : memref<64x1xf32, #tpu.memory_space<vmem>>, vector<64x1xf32>
      tpu.vector_store %arg9[%swap3A_59, %swap3A_60], %broadcast_in_dim3A_58 {strides = array<i32>} : memref<64x1xf32, #tpu.memory_space<vmem>>, vector<64x1xf32>,
    } else {
    }
    %get3A = arith.constant 0 : index
    %get3A_2 = arith.constant 0 : index
    %get3A_3 = arith.constant 0 : index
    %get3A_4 = vector.load %arg2[%get3A, %get3A_2, %get3A_3] : memref<2x1000x128xf32, #tpu.memory_space<vmem>>, vector<1x1000x128xf32>
    %get3A_5 = vector.shape_cast %get3A_4 : vector<1x1000x128xf32> to vector<1000x128xf32>
    %get3A_6 = arith.constant 1 : index
    %get3A_7 = arith.constant 0 : index
    %get3A_8 = arith.constant 0 : index
    %get3A_9 = vector.load %arg2[%get3A_6, %get3A_7, %get3A_8] : memref<2x1000x128xf32, #tpu.memory_space<vmem>>, vector<1x1000x128xf32>
    %get3A_10 = vector.shape_cast %get3A_9 : vector<1x1000x128xf32> to vector<1000x128xf32>
    %add3A = arith.addf %get3A_5, %get3A_10 : vector<1000x128xf32>
    %get3A_11 = arith.constant 0 : index
    %get3A_12 = arith.constant 0 : index
    %get3A_13 = vector.load %arg1[%get3A_11, %get3A_12] : memref<1000x128xf32, #tpu.memory_space<vmem>>, vector<1000x128xf32>
    %tanh3A = math.tanh %add3A : vector<1000x128xf32>
    %get3A_14 = arith.constant 0 : index
    %get3A_15 = arith.constant 0 : index
    %get3A_16 = vector.load %arg3[%get3A_14, %get3A_15] : memref<128x128xf32, #tpu.memory_space<vmem>>, vector<128x128xf32>
    %dot_general3A = arith.constant dense<0.000000e+00> : vector<1000x128xf32>
    %dot_general3A_17 = tpu.matmul %tanh3A, %get3A_16, %dot_general3A {dimension_numbers = #tpu.dot_dimension_numbers<[1], [0], [0], [1], [0, 0, 1, 1], [], []>, transpose_lhs_hint = false} : vector<1000x128xf32>, vector<128x128xf32>, vector<1000x128xf32> -> vector<1000x128xf32>
    %add3A_18 = arith.addf %get3A_13, %dot_general3A_17 : vector<1000x128xf32>
    %max3A = arith.constant 0.000000e+00 : f32
    %max3A_19 = vector.broadcast %max3A : f32 to vector<1000x128xf32>
    %max3A_20 = arith.maximumf %add3A_18, %max3A_19 : vector<1000x128xf32>
    %get3A_21 = arith.constant 0 : index
    %get3A_22 = arith.constant 0 : index
    %get3A_23 = arith.constant 0 : index
    %get3A_24 = vector.load %arg4[%get3A_21, %get3A_22, %get3A_23] : memref<1x1x1000xi32, #tpu.memory_space<vmem>>, vector<1x1x1000xi32>
    %get3A_25 = vector.shape_cast %get3A_24 : vector<1x1x1000xi32> to vector<1000xi32>
    %iota3A = tpu.iota {dimensions = array<i32: 0>} : vector<64x1000xi32>
    %broadcast_in_dim3A = vector.shape_cast %get3A_25 : vector<1000xi32> to vector<1x1000xi32>
    %eq3A_26 = vector.broadcast %broadcast_in_dim3A : vector<1x1000xi32> to vector<64x1000xi32>
    %eq3A_27 = arith.cmpi eq, %iota3A, %eq3A_26 : vector<64x1000xi32>
    %convert_element_type3A_28 = arith.extui %eq3A_27 : vector<64x1000xi1> to vector<64x1000xi32>
    %convert_element_type3A_29 = arith.sitofp %convert_element_type3A_28 : vector<64x1000xi32> to vector<64x1000xf32>
    %get3A_30 = arith.constant 0 : index
    %get3A_31 = arith.constant 0 : index
    %get3A_32 = vector.load %arg8[%get3A_30, %get3A_31] : memref<64x128xf32, #tpu.memory_space<vmem>>, vector<64x128xf32>
    %dot_general3A_33 = arith.constant dense<0.000000e+00> : vector<64x128xf32>
    %dot_general3A_34 = tpu.matmul %convert_element_type3A_29, %max3A_20, %dot_general3A_33 {dimension_numbers = #tpu.dot_dimension_numbers<[1], [0], [0], [1], [0, 0, 1, 1], [], []>, transpose_lhs_hint = false} : vector<64x1000xf32>, vector<1000x128xf32>, vector<64x128xf32> -> vector<64x128xf32>
    %add3A_35 = arith.addf %get3A_32, %dot_general3A_34 : vector<64x128xf32>
    %swap3A = arith.constant 0 : index
    %swap3A_36 = arith.constant 0 : index
    %swap3A_37 = vector.load %arg8[%swap3A, %swap3A_36] : memref<64x128xf32, #tpu.memory_space<vmem>>, vector<64x128xf32>
    tpu.vector_store %arg8[%swap3A, %swap3A_36], %add3A_35 {strides = array<i32>} : memref<64x128xf32, #tpu.memory_space<vmem>>, vector<64x128xf32>,
    %get3A_38 = arith.constant 0 : index
    %get3A_39 = arith.constant 0 : index
    %get3A_40 = vector.load %arg9[%get3A_38, %get3A_39] : memref<64x1xf32, #tpu.memory_space<vmem>>, vector<64x1xf32>
    %reduce_sum3A = arith.constant dense<0.000000e+00> : vector<64xf32>
    %reduce_sum3A_41 = vector.multi_reduction <add>, %convert_element_type3A_29, %reduce_sum3A [1] : vector<64x1000xf32> to vector<64xf32>
    %broadcast_in_dim3A_42 = vector.shape_cast %reduce_sum3A_41 : vector<64xf32> to vector<64x1xf32>
    %add3A_43 = arith.addf %get3A_40, %broadcast_in_dim3A_42 : vector<64x1xf32>
    %swap3A_44 = arith.constant 0 : index
    %swap3A_45 = arith.constant 0 : index
    %swap3A_46 = vector.load %arg9[%swap3A_44, %swap3A_45] : memref<64x1xf32, #tpu.memory_space<vmem>>, vector<64x1xf32>
    tpu.vector_store %arg9[%swap3A_44, %swap3A_45], %add3A_43 {strides = array<i32>} : memref<64x1xf32, #tpu.memory_space<vmem>>, vector<64x1xf32>,
    %eq3A_47 = arith.constant 9 : i32
    %eq3A_48 = arith.cmpi eq, %arg0, %eq3A_47 : i32
    %convert_element_type3A_49 = arith.extui %eq3A_48 : i1 to i32
    %cond3A_50 = arith.constant 0 : i32
    %cond3A_51 = arith.cmpi ne, %convert_element_type3A_49, %cond3A_50 : i32
    scf.if %cond3A_51 {
      %get3A_52 = arith.constant 0 : index
      %get3A_53 = arith.constant 0 : index
      %get3A_54 = vector.load %arg8[%get3A_52, %get3A_53] : memref<64x128xf32, #tpu.memory_space<vmem>>, vector<64x128xf32>
      %get3A_55 = arith.constant 0 : index
      %get3A_56 = arith.constant 0 : index
      %get3A_57 = vector.load %arg9[%get3A_55, %get3A_56] : memref<64x1xf32, #tpu.memory_space<vmem>>, vector<64x1xf32>
      %max3A_58 = arith.constant 1.000000e+00 : f32
      %max3A_59 = vector.broadcast %max3A_58 : f32 to vector<64x1xf32>
      %max3A_60 = arith.maximumf %get3A_57, %max3A_59 : vector<64x1xf32>
      %div3A = vector.broadcast %max3A_60 : vector<64x1xf32> to vector<64x128xf32>
      %div3A_61 = arith.divf %get3A_54, %div3A : vector<64x128xf32>
      %get3A_62 = arith.constant 0 : index
      %get3A_63 = arith.constant 0 : index
      %get3A_64 = vector.load %arg5[%get3A_62, %get3A_63] : memref<128x10xf32, #tpu.memory_space<vmem>>, vector<128x10xf32>
      %dot_general3A_65 = arith.constant dense<0.000000e+00> : vector<64x10xf32>
      %dot_general3A_66 = tpu.matmul %div3A_61, %get3A_64, %dot_general3A_65 {dimension_numbers = #tpu.dot_dimension_numbers<[1], [0], [0], [1], [0, 0, 1, 1], [], []>, transpose_lhs_hint = false} : vector<64x128xf32>, vector<128x10xf32>, vector<64x10xf32> -> vector<64x10xf32>
      %get3A_67 = arith.constant 0 : index
      %get3A_68 = arith.constant 0 : index
      %get3A_69 = vector.load %arg6[%get3A_67, %get3A_68] : memref<1x10xf32, #tpu.memory_space<vmem>>, vector<1x10xf32>
      %add3A_70 = vector.broadcast %get3A_69 : vector<1x10xf32> to vector<64x10xf32>
      %add3A_71 = arith.addf %dot_general3A_66, %add3A_70 : vector<64x10xf32>
      %reduce_max3A = arith.constant dense<0xFF800000> : vector<64xf32>
      %reduce_max3A_72 = vector.multi_reduction <maximumf>, %add3A_71, %reduce_max3A [1] : vector<64x10xf32> to vector<64xf32>
      %broadcast_in_dim3A_73 = vector.shape_cast %reduce_max3A_72 : vector<64xf32> to vector<64x1xf32>
      %sub3A = vector.broadcast %broadcast_in_dim3A_73 : vector<64x1xf32> to vector<64x10xf32>
      %sub3A_74 = arith.subf %add3A_71, %sub3A : vector<64x10xf32>
      %exp3A = math.exp %sub3A_74 : vector<64x10xf32>
      %reduce_sum3A_75 = arith.constant dense<0.000000e+00> : vector<64xf32>
      %reduce_sum3A_76 = vector.multi_reduction <add>, %exp3A, %reduce_sum3A_75 [1] : vector<64x10xf32> to vector<64xf32>
      %broadcast_in_dim3A_77 = vector.shape_cast %reduce_sum3A_76 : vector<64xf32> to vector<64x1xf32>
      %log3A = math.log %broadcast_in_dim3A_77 : vector<64x1xf32>
      %add3A_78 = arith.addf %log3A, %broadcast_in_dim3A_73 : vector<64x1xf32>
      %sub3A_79 = vector.broadcast %add3A_78 : vector<64x1xf32> to vector<64x10xf32>
      %sub3A_80 = arith.subf %add3A_71, %sub3A_79 : vector<64x10xf32>
      %swap3A_81 = arith.constant 0 : index
      %swap3A_82 = arith.constant 0 : index
      %swap3A_83 = vector.load %arg7[%swap3A_81, %swap3A_82] : memref<64x10xf32, #tpu.memory_space<vmem>>, vector<64x10xf32>
      tpu.vector_store %arg7[%swap3A_81, %swap3A_82], %sub3A_80 {strides = array<i32>} : memref<64x10xf32, #tpu.memory_space<vmem>>, vector<64x10xf32>,
    } else {
    }
    return
  }
  func.func @transform_0(%arg0: i32) -> (i32, i32) {
    %c0_i32 = arith.constant 0 : i32
    %c0_i32_0 = arith.constant 0 : i32
    return %arg0, %c0_i32 : i32, i32
  }
  func.func @transform_1(%arg0: i32) -> (i32, i32, i32) {
    %c0_i32 = arith.constant 0 : i32
    %c0_i32_0 = arith.constant 0 : i32
    %c0_i32_1 = arith.constant 0 : i32
    return %c0_i32, %arg0, %c0_i32_0 : i32, i32, i32
  }
  func.func @transform_2(%arg0: i32) -> (i32, i32) {
    %c0_i32 = arith.constant 0 : i32
    %c0_i32_0 = arith.constant 0 : i32
    %c0_i32_1 = arith.constant 0 : i32
    return %c0_i32, %c0_i32_0 : i32, i32
  }
  func.func @transform_3(%arg0: i32) -> (i32, i32, i32) {
    %c0_i32 = arith.constant 0 : i32
    %c0_i32_0 = arith.constant 0 : i32
    %c0_i32_1 = arith.constant 0 : i32
    return %arg0, %c0_i32, %c0_i32_0 : i32, i32, i32
  }
  func.func @transform_4(%arg0: i32) -> (i32, i32) {
    %c0_i32 = arith.constant 0 : i32
    %c0_i32_0 = arith.constant 0 : i32
    %c0_i32_1 = arith.constant 0 : i32
    return %c0_i32, %c0_i32_0 : i32, i32
  }
  func.func @transform_5(%arg0: i32) -> (i32, i32) {
    %c0_i32 = arith.constant 0 : i32
    %c0_i32_0 = arith.constant 0 : i32
    %c0_i32_1 = arith.constant 0 : i32
    return %c0_i32, %c0_i32_0 : i32, i32
  }
  func.func @transform_6(%arg0: i32) -> (i32, i32) {
    %c0_i32 = arith.constant 0 : i32
    %c0_i32_0 = arith.constant 0 : i32
    %c0_i32_1 = arith.constant 0 : i32
    return %c0_i32, %c0_i32_0 : i32, i32
  }
}

module attributes {stable_mosaic.version = 14 : i64} {
  func.func @_tc1_body(%arg0: i32, %arg1: memref<1000x128xf32, #tpu.memory_space<vmem>>, %arg2: memref<128x128xf32, #tpu.memory_space<vmem>>, %arg3: memref<1000x128xf32, #tpu.memory_space<vmem>>, %arg4: memref<1000x128xf32, #tpu.memory_space<vmem>>) attributes {dimension_semantics = [#tpu.dimension_semantics<arbitrary>], iteration_bounds = array<i64: 10>, scalar_prefetch = 0 : i64, scratch_operands = 0 : i64, tpu.core_type = #tpu.core_type<tc>, window_params = [{transform_indices = @transform_0, window_bounds = array<i64: 1000, 128>}, {pipeline_mode = #tpu.pipeline_mode<synchronous>, transform_indices = @transform_1, window_bounds = array<i64: 128, 128>}, {transform_indices = @transform_2, window_bounds = array<i64: 1000, 128>}, {transform_indices = @transform_3, window_bounds = array<i64: 1000, 128>}]} {
    %get3A = arith.constant 0 : index
    %get3A_0 = arith.constant 0 : index
    %get3A_1 = vector.load %arg1[%get3A, %get3A_0] : memref<1000x128xf32, #tpu.memory_space<vmem>>, vector<1000x128xf32>
    %get3A_2 = arith.constant 0 : index
    %get3A_3 = arith.constant 0 : index
    %get3A_4 = vector.load %arg2[%get3A_2, %get3A_3] : memref<128x128xf32, #tpu.memory_space<vmem>>, vector<128x128xf32>
    %dot_general3A = arith.constant dense<0.000000e+00> : vector<1000x128xf32>
    %dot_general3A_5 = tpu.matmul %get3A_1, %get3A_4, %dot_general3A {dimension_numbers = #tpu.dot_dimension_numbers<[1], [0], [0], [1], [0, 0, 1, 1], [], []>, transpose_lhs_hint = false} : vector<1000x128xf32>, vector<128x128xf32>, vector<1000x128xf32> -> vector<1000x128xf32>
    %swap3A = arith.constant 0 : index
    %swap3A_6 = arith.constant 0 : index
    %swap3A_7 = vector.load %arg3[%swap3A, %swap3A_6] : memref<1000x128xf32, #tpu.memory_space<vmem>>, vector<1000x128xf32>
    tpu.vector_store %arg3[%swap3A, %swap3A_6], %dot_general3A_5 {strides = array<i32>} : memref<1000x128xf32, #tpu.memory_space<vmem>>, vector<1000x128xf32>,
    %max3A = arith.constant 0.000000e+00 : f32
    %max3A_8 = vector.broadcast %max3A : f32 to vector<1000x128xf32>
    %max3A_9 = arith.maximumf %dot_general3A_5, %max3A_8 : vector<1000x128xf32>
    %tanh3A = math.tanh %max3A_9 : vector<1000x128xf32>
    %swap3A_10 = arith.constant 0 : index
    %swap3A_11 = arith.constant 0 : index
    %swap3A_12 = vector.load %arg4[%swap3A_10, %swap3A_11] : memref<1000x128xf32, #tpu.memory_space<vmem>>, vector<1000x128xf32>
    tpu.vector_store %arg4[%swap3A_10, %swap3A_11], %tanh3A {strides = array<i32>} : memref<1000x128xf32, #tpu.memory_space<vmem>>, vector<1000x128xf32>,
    return
  }
  func.func @transform_0(%arg0: i32) -> (i32, i32) {
    %c0_i32 = arith.constant 0 : i32
    %c0_i32_0 = arith.constant 0 : i32
    return %arg0, %c0_i32 : i32, i32
  }
  func.func @transform_1(%arg0: i32) -> (i32, i32) {
    %c0_i32 = arith.constant 0 : i32
    %c0_i32_0 = arith.constant 0 : i32
    %c0_i32_1 = arith.constant 0 : i32
    return %c0_i32, %c0_i32_0 : i32, i32
  }
  func.func @transform_2(%arg0: i32) -> (i32, i32) {
    %c0_i32 = arith.constant 0 : i32
    %c0_i32_0 = arith.constant 0 : i32
    return %arg0, %c0_i32 : i32, i32
  }
  func.func @transform_3(%arg0: i32) -> (i32, i32) {
    %c0_i32 = arith.constant 0 : i32
    %c0_i32_0 = arith.constant 0 : i32
    return %arg0, %c0_i32 : i32, i32
  }
}

</mosaic_0001>

<sc_bundles>
// kernel: kernel.5.cloned.1.call-start
scs
__scs_entry_jumppad:
0x0: {  	(pc) =	sbr.rel $0x88, $3  }
0x1: {  	(tag) =	ssettag $0x0;
	lr =	simm.s32 $0x1  }
0x2: {  	[smem:$0x3F9A] =	sst lr;
	_ =	strace $0xD0000000  }
0x3: {  	_ = 	snop  }
0x4: {  	_ = 	snop  }
0x5: {  	_ = 	snop  }
0x6: {  	_ = 	snop  }
0x7: {  	_ = 	snop  }
__scs_overlays_trampoline_lowered:
0x8: {  	[smem:$0x3FA9] =	sst s0  }
0x9: {  	[smem:$0x3FAA] =	sst s1  }
0xa: {  	[smem:$0x3FAB] =	sst s2  }
0xb: {  	[smem:$0x3FAC] =	sst s3  }
0xc: {  	[smem:$0x3FAD] =	sst s4  }
0xd: {  	[smem:$0x3FAE] =	sst s5  }
0xe: {  	[smem:$0x3FAF] =	sst s6  }
0xf: {  	[smem:$0x3FB0] =	sst s7  }
0x10: {  	[smem:$0x3FB1] =	sst s8  }
0x11: {  	[smem:$0x3FB2] =	sst s9;
	s0 =	simm.s32 @!p0 $0x0  }
0x12: {  	s1 =	sld [smem:$0x3F98];
	s0 =	simm.s32 @p0 $0x1  }
0x13: {  	[smem:$0x3FB3] =	sst s0;
	s0 =	simm.s32 @!p1 $0x0  }
0x14: {  	s2 =	sld [smem:$0x3F97];
	s0 =	simm.s32 @p1 $0x1  }
0x15: {  	[smem:$0x3FB4] =	sst s0;
	s0 =	simm.s32 @!p2 $0x0  }
0x16: {  	s3 =	sld [smem:$0x3FDB];
	s0 =	simm.s32 @p2 $0x1  }
0x17: {  	s4 =	simm.s32 $0x1BF5;
	[smem:$0x3FB6] =	sst s0  }
0x18: {  	s0 =	sld [smem:$0x3F99];
	_ =	swait.ge [sflag:s4], $0x0  }
0x19: {  	s7 =	sld [smem:$0x3F9A]  }
0x1a: {  	s8 =	sadd.s32 $0xFFFFE003, lr  }
0x1b: {  	s9 =	sadd.s32 $0xFFFFFEF7, lr;
	s5 =	simm.s32 $0xFFFFFFFF;
	p2 =	slt.u32 s8, $0xFFFFF086  }
0x1c: {  	p1 =	slt.u32 s9, $0xF7A;
	s5 =	simm.s32 @!p2 $0x0  }
0x1d: {  	s5 =	simm.s32 @p1 $0x1;
	p0 =	seq.s32 s7, s2  }
0x1e: {  	s7 =	smul.u32 @!p0 $0xF7A, s2;
	p2 =	seq.s32 @!p0 s5, $0x0  }
0x1f: {  	s9 =	smul.u32 $0xF7A, s1;
	s8 =	simm.s32 @!p0 $0x1BF5;
	p2 =	por !p2, p0  }
0x20: {  	[sflag:s8] =	ssyncset.s32 @!p0 $0xFFFFF086;
	s6 =	sadd.s32 @!p0 s3, s7;
	s7 =	simm.s32 @!p0 $0x108  }
0x21: {  	s3 =	sadd.s32 s3, s9;
	s6 =	sadd.s32 @!p0 $0x88, s6;
	s7 =	simm.s32 @p2 $0x1082  }
0x22: {  	[simem:s7], [sflag:s8] =	dma.local @!p0 [hbm:s6], $0xF7A  }
0x23: {  	s9 =	sor.u32 $0xD0000000, s2;
	s6 =	simm.s32 $0x108;
	_ =	swait.ge @!p0 [sflag:s8], $0x0  }
0x24: {  	s3 =	sadd.s32 $0x88, s3;
	s6 =	simm.s32 @!p1 $0x1082;
	[sflag:s4] =	ssyncset.s32 $0xFFFFF086  }
0x25: {  	[simem:s6], [sflag:s4] =	dma.local [hbm:s3], $0xF7A  }
0x26: {  	[smem:$0x3F9A] =	sst s1;
	(tag) =	ssettag s2;
	_ =	strace s9  }
0x27: {  	s1 =	sld [smem:$0x3FAA]  }
0x28: {  	s2 =	sld [smem:$0x3FAB]  }
0x29: {  	s4 =	sld [smem:$0x3FAD]  }
0x2a: {  	p0 =	seq.s32 s5, $0x0;
	s5 =	sld [smem:$0x3FAE]  }
0x2b: {  	s6 =	sld [smem:$0x3FAF]  }
0x2c: {  	s7 =	sld [smem:$0x3FB0]  }
0x2d: {  	s3 =	simm.s32 $0x108;
	s8 =	sld [smem:$0x3FB1]  }
0x2e: {  	s3 =	simm.s32 @!p0 $0x1082;
	s9 =	sld [smem:$0x3FB2]  }
0x2f: {  	lr =	sadd.s32 s0, s3;
	s0 =	sld [smem:$0x3FA9]  }
0x30: {  	s3 =	sld [smem:$0x3FAC]  }
0x31: {  	[smem:$0x3FB5] =	sst s10  }
0x32: {  	s10 =	sld [smem:$0x3FB3];
	_ =	sdelay $0x3  }
0x33: {  	p0 =	seq.s32 s10, $0x1;
	s10 =	sld [smem:$0x3FB5];
	_ =	sdelay $0x3  }
0x34: {  	[smem:$0x3FB5] =	sst s10  }
0x35: {  	s10 =	sld [smem:$0x3FB4];
	_ =	sdelay $0x3  }
0x36: {  	p1 =	seq.s32 s10, $0x1;
	s10 =	sld [smem:$0x3FB5];
	_ =	sdelay $0x3  }
0x37: {  	[smem:$0x3FB5] =	sst s10  }
0x38: {  	s10 =	sld [smem:$0x3FB6]  }
0x39: {  	_ = 	snop;
	(pc) =	sbr.ind lr, $3  }
0x3a: {  	_ = 	snop  }
0x3b: {  	_ = 	snop  }
0x3c: {  	p2 =	seq.s32 s10, $0x1;
	s10 =	sld [smem:$0x3FB5]  }
0x3d: {  	_ =	shalt  }
0x3e: {  	_ =	shalt  }
0x3f: {  	_ =	shalt  }
0x40: {  	_ =	shalt  }
0x41: {  	_ =	shalt  }
0x42: {  	_ =	shalt  }
0x43: {  	_ =	shalt  }
0x44: {  	_ =	shalt  }
0x45: {  	_ =	shalt  }
0x46: {  	_ =	shalt  }
0x47: {  	_ =	shalt  }
0x48: {  	_ =	shalt  }
0x49: {  	_ =	shalt  }
0x4a: {  	_ =	shalt  }
0x4b: {  	_ =	shalt  }
0x4c: {  	_ =	shalt  }
0x4d: {  	_ =	shalt  }
0x4e: {  	_ =	shalt  }
0x4f: {  	_ =	shalt  }
0x50: {  	_ =	shalt  }
0x51: {  	_ =	shalt  }
0x52: {  	_ =	shalt  }
0x53: {  	_ =	shalt  }
0x54: {  	_ =	shalt  }
0x55: {  	_ =	shalt  }
0x56: {  	_ =	shalt  }
0x57: {  	_ =	shalt  }
0x58: {  	_ =	shalt  }
0x59: {  	_ =	shalt  }
0x5a: {  	_ =	shalt  }
0x5b: {  	_ =	shalt  }
0x5c: {  	_ =	shalt  }
0x5d: {  	_ =	shalt  }
0x5e: {  	_ =	shalt  }
0x5f: {  	_ =	shalt  }
0x60: {  	_ =	shalt  }
0x61: {  	_ =	shalt  }
0x62: {  	_ =	shalt  }
0x63: {  	_ =	shalt  }
0x64: {  	_ =	shalt  }
0x65: {  	_ =	shalt  }
0x66: {  	_ =	shalt  }
0x67: {  	_ =	shalt  }
0x68: {  	_ =	shalt  }
0x69: {  	_ =	shalt  }
0x6a: {  	_ =	shalt  }
0x6b: {  	_ =	shalt  }
0x6c: {  	_ =	shalt  }
0x6d: {  	_ =	shalt  }
0x6e: {  	_ =	shalt  }
0x6f: {  	_ =	shalt  }
0x70: {  	_ =	shalt  }
0x71: {  	_ =	shalt  }
0x72: {  	_ =	shalt  }
0x73: {  	_ =	shalt  }
0x74: {  	_ =	shalt  }
0x75: {  	_ =	shalt  }
0x76: {  	_ =	shalt  }
0x77: {  	_ =	shalt  }
0x78: {  	_ =	shalt  }
0x79: {  	_ =	shalt  }
0x7a: {  	_ =	shalt  }
0x7b: {  	_ =	shalt  }
0x7c: {  	_ =	shalt  }
0x7d: {  	_ =	shalt  }
0x7e: {  	_ =	shalt  }
0x7f: {  	_ =	shalt  }
0x80: {  	_ =	shalt  }
0x81: {  	_ =	shalt  }
0x82: {  	_ =	shalt  }
0x83: {  	_ =	shalt  }
0x84: {  	_ =	shalt  }
0x85: {  	_ =	shalt  }
0x86: {  	_ =	shalt  }
0x87: {  	_ =	shalt  }
.Lfunc_end0:
.L_simem_size_0:
called_computation_lowered:
.L_overlay_start_0:
0x88: {  	s2 =	sld [smem:$0x3FD9]  }
0x89: {  	s3 =	sld [smem:$0x3FFE];
	_ =	sdelay $0x1  }
0x8a: {  	s1 =	srdreg.scid  }
0x8b: {  	s0 =	sand.u32 $0x1, s1  }
0x8c: {  	s16 =	sshll.u32 s0, $0xA;
	s2 =	sadd.s32 s3, s2  }
0x8d: {  	s2 =	sadd.s32 s2, s16  }
0x8e: {  	[smem:$0x3FC1] =	sst s2  }
0x8f: {  	_ = 	snop  }
0x90: {  	(tm) =	ssettm $0x1  }
0x91: {  	s17 =	sld [smem:$0x3FFB];
	_ =	sdelay $0x3  }
0x92: {  	_ =	strace s17  }
0x93: {  	s2 =	sld [smem:$0x3FFC];
	_ =	sdelay $0x3  }
0x94: {  	_ =	strace s2  }
0x95: {  	s2 =	sld [smem:$0x3FFD];
	_ =	sdelay $0x3  }
0x96: {  	_ =	strace s2  }
0x97: {  	_ =	strace $0x8FFFFFFF  }
0x98: {  	s18 =	sld [smem:$0x3FDB];
	_ =	sdelay $0x1  }
0x99: {  	s19 =	simm.s32 $_scs_section_size  }
0x9a: {  	s4 =	simm.s32 $_size__tile_overlayer_lowered;
	s5 =	simm.s32 $_tile_overlayer_lowered  }
0x9b: {  	s22 =	simm.s32 $0x1BFF;
	s21 =	sshll.u32 s5, $0x1;
	s2 =	sadd.s32 s19, s18  }
0x9c: {  	s6 =	simm.s32 $0x0;
	s20 =	sshll.u32 s4, $0x1;
	s4 =	sadd.s32 s21, s2  }
0x9d: {  	[timem:s6], [sflag:s22] =	dma.local [hbm:s4], s20  }
0x9e: {  	_ =	swait.ge [sflag:s22], s20  }
0x9f: {  	s3 =	ssub.s32 $0x0, s20;
	[sflag:s22] =	ssyncset.done $0x0  }
0xa0: {  	[sflag:s22] =	ssyncadd.s32 s3;
	_ =	sdelay $0x1  }
0xa1: {  	s23 =	simm.s32 $0x1B8B  }
0xa2: {  	_ =	swait.ge [sflag:s23], $0x1  }
0xa3: {  	[sflag:s23] =	ssyncset.done $0x0  }
0xa4: {  	s25 =	simm.s32 $0x1B8E;
	s24 =	sld [smem:$0x3FFE];
	[sflag:s23] =	ssyncadd.s32 $0xFFFFFFFF  }
0xa5: {  	s26 =	simm.s32 $execute0_lowered;
	[smem:$0x3FD2] =	sst s25  }
0xa6: {  	s4 =	sshll.u32 s26, $0x1;
	_ =	strace $0x80000046;
	[dreg:$0x1] =	wrdreg $0xFFFFFFFF  }
0xa7: {  	s28 =	simm.s32 $_size_execute0_lowered;
	s2 =	sadd.s32 s2, s4;
	[dreg:$0x0] =	wrdreg $0x0  }
0xa8: {  	s4 =	sshll.u32 s28, $0x1;
	[dreg:$0x2] =	wrdreg s2  }
0xa9: {  	[dreg:$0x3] =	wrdreg s4  }
0xaa: {  	[dreg:$0x4] =	wrdreg $0xC0  }
0xab: {  	_ =	task [dreg:s6], $0x5FFFF  }
0xac: {  	[dreg:$0x1] =	wrdreg $0xFFFFFFFF  }
0xad: {  	[dreg:$0x0] =	wrdreg $0x60  }
0xae: {  	[dreg:$0x2] =	wrdreg s24  }
0xaf: {  	[dreg:$0x3] =	wrdreg $0x90000  }
0xb0: {  	[dreg:$0x4] =	wrdreg $0x9  }
0xb1: {  	_ =	task.clear_ibuf [dreg:s6], $0x5FFFF;
	_ =	strace $0x90000046  }
0xb2: {  	s29 =	simm.s32 $0x9;
	_ =	strace $0x80000048  }
0xb3: {  	_ =	swait.ge [sflag:s29], $0x1  }
0xb4: {  	[sflag:s29] =	ssyncadd.s32 $0xFFFFFFFF  }
0xb5: {  	_ =	strace $0x90000048  }
0xb6: {  	_ =	sfence  }
0xb7: {  	s30 =	sld [smem:$0x0];
	_ =	sdelay $0x2  }
0xb8: {  	s31 =	sshll.u32 s1, $0xD;
	s1 =	sshrl.u32 s1, $0x2  }
0xb9: {  	s3 =	sand.u32 $0x4000, s31;
	s1 =	sadd.s32 s1, s30  }
0xba: {  	s0 =	sor.u32 s3, s0;
	s1 =	sshll.u32 s1, $0x11  }
0xbb: {  	s0 =	sor.u32 s1, s0  }
0xbc: {  	s0 =	sadd.s32 $0x8F2B, s0  }
0xbd: {  	[sflag:s0] =	ssyncadd.remote.s32 $0x1  }
0xbe: {  	_ =	sfence.sel $0xFFFF  }
0xbf: {  	[dreg:$0x0] =	wrdreg $0xFFFFFFFF;
	(pc) =	sbr.abs _section_cstart, $3  }
0xc0: {  	[dreg:$0x1] =	wrdreg $0xFFFFFFFF  }
0xc1: {  	_ =	task.clear_ibuf [dreg:s6], $0x2FFFF;
	_ =	strace $0x9FFFFFFF  }
0xc2: {  	(tm) =	ssettm $0x7FFFFFFF  }
0xc3: {  	_ =	shalt  }
tec
execute0_lowered:
.L_overlay_start_1:
0x0: {  	(tag) =	ssettag $0x1  }
0x1: {  	s0 =	rddreg [dreg:$0x0]  }
0x2: {  	s1 =	rddreg [dreg:$0x1]  }
0x3: {  	s3 =	simm.s32 $0x0;
	s2 =	srdreg.scid;
	s11 =	stileid.u32  }
0x4: {  	s30 =	simm.s32 $0x1000;
	s31 =	simm.s32 $0x6;
	s7 =	smul.u32 $0x2800, s11  }
0x5: {  	s28 =	simm.s32 $0x4;
	[smem:$0x7FF] =	sst s3;
	s9 =	smul.u32 $0x50000, s11  }
0x6: {  	s2 =	sand.u32 $0x1, s2;
	s4 =	sadd.s32 $0x1400, s0;
	s11 =	smul.u32 $0x14000, s11  }
0x7: {  	s5 =	sadd.s32 $0x15400, s0;
	s12 =	sadd.s32 $0x3C600, s0;
	s6 =	smul.u32 $0x28000, s2  }
0x8: {  	_ =	strace $0x80000047;
	s8 =	ssub.s32 $0x2, s2;
	s2 =	smul.u32 $0x140000, s2  }
0x9: {  	s10 =	sshrl.u32 s8, $0x1;
	s13 =	sadd.s32 $0x7800, s11;
	s14 =	sadd.s32 $0xA000, s11  }
0xa: {  	s16 =	sadd.s32 $0xC800, s11;
	s18 =	sadd.s32 $0xF000, s11;
	s8 =	ssub.s32 s8, s10  }
0xb: {  	s6 =	sadd.s32 s7, s6;
	s7 =	sshrl.u32 s9, $0x2;
	s9 =	sor.u32 $0x2800, s11  }
0xc: {  	s10 =	sadd.s32 $0x5000, s11;
	s15 =	sadd.s32 s2, s11;
	s11 =	sadd.s32 $0x11800, s11  }
0xd: {  	s21 =	sadd.s32 s2, s13;
	s24 =	sadd.s32 s2, s16;
	s15 =	sshrl.u32 s15, $0x3  }
0xe: {  	s25 =	sadd.s32 s2, s18;
	s17 =	sadd.s32 s2, s9;
	s15 =	sadd.s32 s12, s15  }
0xf: {  	s20 =	sadd.s32 s2, s10;
	s17 =	sshrl.u32 s17, $0x3;
	[dreg:$0x3] =	wrdreg s15  }
0x10: {  	s19 =	sadd.s32 s12, s17;
	s15 =	sshrl.u32 s20, $0x3;
	s17 =	sshrl.u32 s21, $0x3  }
0x11: {  	s20 =	sadd.s32 s14, s1;
	s21 =	sadd.s32 s16, s1;
	s16 =	simm.s32 $0xA00  }
0x12: {  	[dreg:$0x4] =	wrdreg s19;
	s19 =	sadd.s32 s2, s14;
	s15 =	sadd.s32 s12, s15  }
0x13: {  	s22 =	sadd.s32 s12, s17;
	s2 =	sadd.s32 s2, s11;
	[dreg:$0x11] =	wrdreg s20  }
0x14: {  	s17 =	sshrl.u32 s25, $0x3;
	s25 =	sadd.s32 s9, s1;
	[dreg:$0x12] =	wrdreg s21  }
0x15: {  	s9 =	simm.s32 $0x5;
	s20 =	simm.s32 $0xE80;
	[dreg:$0x5] =	wrdreg s15  }
0x16: {  	s21 =	simm.s32 $0xB00;
	s19 =	sshrl.u32 s19, $0x3;
	[dreg:$0x6] =	wrdreg s22  }
0x17: {  	s15 =	sshrl.u32 s24, $0x3;
	s2 =	sshrl.u32 s2, $0x3;
	s26 =	sadd.s32 s12, s17  }
0x18: {  	s17 =	sadd.s32 s7, s1;
	s22 =	sadd.s32 s18, s1;
	[dreg:$0xe] =	wrdreg s25  }
0x19: {  	s24 =	sor.u32 $0x400, s6;
	s7 =	simm.s32 $0xC00;
	[dreg:$0x9] =	wrdreg s26  }
0x1a: {  	s18 =	simm.s32 $0xE00;
	s23 =	sadd.s32 s12, s19;
	[dreg:$0x13] =	wrdreg s22  }
0x1b: {  	s15 =	sadd.s32 s12, s15;
	s2 =	sadd.s32 s12, s2;
	[dreg:$0xc] =	wrdreg s17  }
0x1c: {  	s12 =	smax.u32 s8, $0x1;
	s26 =	sadd.s32 s10, s1;
	[dreg:$0x7] =	wrdreg s23  }
0x1d: {  	s19 =	sadd.s32 s13, s1;
	s8 =	simm.s32 $0x1;
	[dreg:$0x8] =	wrdreg s15  }
0x1e: {  	s10 =	simm.s32 $0x5000;
	s13 =	simm.s32 $0x3;
	[dreg:$0xa] =	wrdreg s2  }
0x1f: {  	s22 =	simm.s32 $0xF00;
	s2 =	sshrl.u32 s6, $0x3;
	[dreg:$0xd] =	wrdreg s12  }
0x20: {  	s15 =	sadd.s32 $0xB400, s0;
	[dreg:$0x10] =	wrdreg s19;
	s23 =	sadd.s32 s11, s1  }
0x21: {  	s6 =	sadd.s32 $0x800, s6;
	s0 =	sshrl.u32 s24, $0x3;
	[dreg:$0xf] =	wrdreg s26  }
.Ltmp0:
0x22: {  	s11 =	simm.s32 $0x2;
	[dreg:$0x14] =	wrdreg s23;
	(pc) =	sbr.rel .LBB2_1-.Ltmp0, $4  }
0x23: {  	s19 =	simm.s32 $0xA80;
	s24 =	simm.s32 $0xF80;
	[dreg:$0x15] =	wrdreg s6  }
0x24: {  	s12 =	simm.s32 $0x0;
	[dreg:$0xb] =	wrdreg s2;
	s2 =	sadd.s32 s4, s2  }
0x25: {  	[dreg:$0x16] =	wrdreg s0;
	s29 =	sadd.s32 s0, s4;
	s6 =	simm.s32 $0x800  }
0x26: {  	v0 =	vimm.f32 $0.0e+00;
	s23 =	simm.s32 $0xB80;
	[dreg:$0x17] =	wrdreg s2;
	s2 =	simm.s32 $0x7D  }
.LBB2_6:
0x27: {  	_ =	swait.ge [sflag:s28], $0x3E80  }
0x28: {  	[sflag:s28] =	ssyncset.done $0x0  }
0x29: {  	[sflag:s28] =	ssyncadd.s32 $0xFFFFC180  }
0x2a: {  	[bflag:$0x0] =	sbarrier.arrive $0xFFFF  }
0x2b: {  	s17 =	rddreg [dreg:$0xc]  }
0x2c: {  	[tilespmem:s30], [sflag:$0x6] =	stream.linear.gather [spmem:s17], $0x2800, $0x38;
	[tilespmem:$0x1D000] =	vst v63  }
0x2d: {  	_ =	swait.ge [sflag:s31], $0x2800  }
0x2e: {  	[sflag:s31] =	ssyncset.done $0x0  }
0x2f: {  	s0 =	rddreg [dreg:$0x3];
	[sflag:s31] =	ssyncadd.s32 $0xFFFFD800  }
0x30: {  	[hbm4b:s0+s3] =	stream.linear.scatter [tilespmem:s30], [sflag:$0x6], $0x2800, $0x38;
	[tilespmem:$0x1D000] =	vst v63  }
0x31: {  	_ =	swait.ge [sflag:s31], $0x2800  }
0x32: {  	[sflag:s31] =	ssyncset.done $0x0  }
0x33: {  	s25 =	rddreg [dreg:$0xe];
	[sflag:s31] =	ssyncadd.s32 $0xFFFFD800  }
0x34: {  	[tilespmem:s30], [sflag:$0x6] =	stream.linear.gather [spmem:s25], $0x2800, $0x38;
	[tilespmem:$0x1D000] =	vst v63  }
0x35: {  	_ =	swait.ge [sflag:s31], $0x2800  }
0x36: {  	[sflag:s31] =	ssyncset.done $0x0  }
0x37: {  	s26 =	rddreg [dreg:$0x4];
	[sflag:s31] =	ssyncadd.s32 $0xFFFFD800  }
0x38: {  	[hbm4b:s26+s3] =	stream.linear.scatter [tilespmem:s30], [sflag:$0x6], $0x2800, $0x38;
	[tilespmem:$0x1D000] =	vst v63  }
0x39: {  	_ =	swait.ge [sflag:s31], $0x2800  }
0x3a: {  	[sflag:s31] =	ssyncset.done $0x0  }
0x3b: {  	s26 =	rddreg [dreg:$0xf];
	[sflag:s31] =	ssyncadd.s32 $0xFFFFD800  }
0x3c: {  	[tilespmem:s30], [sflag:$0x6] =	stream.linear.gather [spmem:s26], $0x2800, $0x38;
	[tilespmem:$0x1D000] =	vst v63  }
0x3d: {  	_ =	swait.ge [sflag:s31], $0x2800  }
0x3e: {  	[sflag:s31] =	ssyncset.done $0x0  }
0x3f: {  	s12 =	rddreg [dreg:$0x5];
	[sflag:s31] =	ssyncadd.s32 $0xFFFFD800  }
0x40: {  	[hbm4b:s12+s3] =	stream.linear.scatter [tilespmem:s30], [sflag:$0x6], $0x2800, $0x38;
	[tilespmem:$0x1D000] =	vst v63  }
0x41: {  	_ =	swait.ge [sflag:s31], $0x2800  }
0x42: {  	[sflag:s31] =	ssyncset.done $0x0  }
0x43: {  	s14 =	rddreg [dreg:$0x10];
	[sflag:s31] =	ssyncadd.s32 $0xFFFFD800  }
0x44: {  	[tilespmem:s30], [sflag:$0x6] =	stream.linear.gather [spmem:s14], $0x2800, $0x38;
	[tilespmem:$0x1D000] =	vst v63  }
0x45: {  	_ =	swait.ge [sflag:s31], $0x2800  }
0x46: {  	[sflag:s31] =	ssyncset.done $0x0  }
0x47: {  	s12 =	rddreg [dreg:$0x6];
	[sflag:s31] =	ssyncadd.s32 $0xFFFFD800  }
0x48: {  	[hbm4b:s12+s3] =	stream.linear.scatter [tilespmem:s30], [sflag:$0x6], $0x2800, $0x38;
	[tilespmem:$0x1D000] =	vst v63  }
0x49: {  	_ =	swait.ge [sflag:s31], $0x2800  }
0x4a: {  	[sflag:s31] =	ssyncset.done $0x0  }
0x4b: {  	s14 =	rddreg [dreg:$0x11];
	[sflag:s31] =	ssyncadd.s32 $0xFFFFD800  }
0x4c: {  	[tilespmem:s30], [sflag:$0x6] =	stream.linear.gather [spmem:s14], $0x2800, $0x38;
	[tilespmem:$0x1D000] =	vst v63  }
0x4d: {  	_ =	swait.ge [sflag:s31], $0x2800  }
0x4e: {  	[sflag:s31] =	ssyncset.done $0x0  }
0x4f: {  	s12 =	rddreg [dreg:$0x7];
	[sflag:s31] =	ssyncadd.s32 $0xFFFFD800  }
0x50: {  	[hbm4b:s12+s3] =	stream.linear.scatter [tilespmem:s30], [sflag:$0x6], $0x2800, $0x38;
	[tilespmem:$0x1D000] =	vst v63  }
0x51: {  	_ =	swait.ge [sflag:s31], $0x2800  }
0x52: {  	[sflag:s31] =	ssyncset.done $0x0  }
0x53: {  	s14 =	rddreg [dreg:$0x12];
	[sflag:s31] =	ssyncadd.s32 $0xFFFFD800  }
0x54: {  	[tilespmem:s30], [sflag:$0x6] =	stream.linear.gather [spmem:s14], $0x2800, $0x38;
	[tilespmem:$0x1D000] =	vst v63  }
0x55: {  	_ =	swait.ge [sflag:s31], $0x2800  }
0x56: {  	[sflag:s31] =	ssyncset.done $0x0  }
0x57: {  	s12 =	rddreg [dreg:$0x8];
	[sflag:s31] =	ssyncadd.s32 $0xFFFFD800  }
0x58: {  	[hbm4b:s12+s3] =	stream.linear.scatter [tilespmem:s30], [sflag:$0x6], $0x2800, $0x38;
	[tilespmem:$0x1D000] =	vst v63  }
0x59: {  	_ =	swait.ge [sflag:s31], $0x2800  }
0x5a: {  	[sflag:s31] =	ssyncset.done $0x0  }
0x5b: {  	s14 =	rddreg [dreg:$0x13];
	[sflag:s31] =	ssyncadd.s32 $0xFFFFD800  }
0x5c: {  	[tilespmem:s30], [sflag:$0x6] =	stream.linear.gather [spmem:s14], $0x2800, $0x38;
	[tilespmem:$0x1D000] =	vst v63  }
0x5d: {  	_ =	swait.ge [sflag:s31], $0x2800  }
0x5e: {  	[sflag:s31] =	ssyncset.done $0x0  }
0x5f: {  	s12 =	rddreg [dreg:$0x9];
	[sflag:s31] =	ssyncadd.s32 $0xFFFFD800  }
0x60: {  	[hbm4b:s12+s3] =	stream.linear.scatter [tilespmem:s30], [sflag:$0x6], $0x2800, $0x38;
	[tilespmem:$0x1D000] =	vst v63  }
0x61: {  	_ =	swait.ge [sflag:s31], $0x2800  }
0x62: {  	[sflag:s31] =	ssyncset.done $0x0  }
0x63: {  	s14 =	rddreg [dreg:$0x14];
	[sflag:s31] =	ssyncadd.s32 $0xFFFFD800  }
0x64: {  	[tilespmem:s30], [sflag:$0x6] =	stream.linear.gather [spmem:s14], $0x2800, $0x38;
	[tilespmem:$0x1D000] =	vst v63  }
0x65: {  	_ =	swait.ge [sflag:s31], $0x2800  }
0x66: {  	[sflag:s31] =	ssyncset.done $0x0  }
0x67: {  	s12 =	rddreg [dreg:$0xa];
	[sflag:s31] =	ssyncadd.s32 $0xFFFFD800  }
0x68: {  	[hbm4b:s12+s3] =	stream.linear.scatter [tilespmem:s30], [sflag:$0x6], $0x2800, $0x38;
	[tilespmem:$0x1D000] =	vst v63  }
0x69: {  	_ =	swait.ge [sflag:s31], $0x2800  }
0x6a: {  	s12 =	rddreg [dreg:$0x18]  }
0x6b: {  	s14 =	rddreg [dreg:$0xd];
	s12 =	sadd.s32 $0x1, s12  }
0x6c: {  	p0 =	sne.s32 s12, s14  }
.Ltmp1:
0x6d: {  	_ = 	snop;
	(pc) =	sbr.rel @!p0 .LBB2_7-.Ltmp1, $3  }
0x6e: {  	_ =	sdelay $0x1  }
0x6f: {  	[sflag:s31] =	ssyncset.done $0x0  }
0x70: {  	[sflag:s31] =	ssyncadd.s32 $0xFFFFD800  }
.LBB2_1:
0x71: {  	[dreg:$0x18] =	wrdreg s12;
	s12 =	simm.s32 $0x70;
	s14 =	simm.s32 $0x3C0  }
.LBB2_2:
0x72: {  	p0 =	sne.s32 s14, $0x9FC0;
	[tilespmem:s12+$0x1000] =	vst v0  }
0x73: {  	[tilespmem:s12+$0xF90] =	vst v0  }
0x74: {  	[tilespmem:s12+$0xFA0] =	vst v0  }
.Ltmp2:
0x75: {  	[tilespmem:s12+$0xFB0] =	vst v0;
	(pc) =	sbr.rel @p0 .LBB2_2-.Ltmp2, $4  }
0x76: {  	[tilespmem:s12+$0xFC0] =	vst v0  }
0x77: {  	[tilespmem:s12+$0xFD0] =	vst v0  }
0x78: {  	[tilespmem:s12+$0xFE0] =	vst v0  }
0x79: {  	[tilespmem:s12+$0xFF0] =	vst v0;
	s12 =	sshra.s32 s14, $0x2;
	s14 =	sadd.s32 $0x200, s14  }
0x7a: {  	[tilespmem:s12+$0x1000] =	vst v0  }
0x7b: {  	[tilespmem:s12+$0xF90] =	vst v0  }
0x7c: {  	[tilespmem:s12+$0xFA0] =	vst v0  }
0x7d: {  	[tilespmem:s12+$0xFB0] =	vst v0  }
0x7e: {  	[tilespmem:s12+$0xFC0] =	vst v0  }
0x7f: {  	[tilespmem:s12+$0xFD0] =	vst v0  }
0x80: {  	[tilespmem:s12+$0xFE0] =	vst v0  }
0x81: {  	[tilespmem:s12+$0xFF0] =	vst v0  }
0x82: {  	[spmem:s17] =	stream.linear.scatter [tilespmem:s30], [sflag:$0x6], $0x2800, $0x38;
	[tilespmem:$0x1D000] =	vst v63  }
0x83: {  	_ =	swait.ge [sflag:s31], $0x2800  }
0x84: {  	[sflag:s31] =	ssyncset.done $0x0  }
0x85: {  	[sflag:s31] =	ssyncadd.s32 $0xFFFFD800  }
0x86: {  	[spmem:s25] =	stream.linear.scatter [tilespmem:s30], [sflag:$0x6], $0x2800, $0x38;
	[tilespmem:$0x1D000] =	vst v63  }
0x87: {  	_ =	swait.ge [sflag:s31], $0x2800  }
0x88: {  	[sflag:s31] =	ssyncset.done $0x0  }
0x89: {  	[sflag:s31] =	ssyncadd.s32 $0xFFFFD800  }
0x8a: {  	[spmem:s26] =	stream.linear.scatter [tilespmem:s30], [sflag:$0x6], $0x2800, $0x38;
	[tilespmem:$0x1D000] =	vst v63  }
0x8b: {  	_ =	swait.ge [sflag:s31], $0x2800  }
0x8c: {  	[sflag:s31] =	ssyncset.done $0x0  }
0x8d: {  	s0 =	rddreg [dreg:$0x10];
	[sflag:s31] =	ssyncadd.s32 $0xFFFFD800  }
0x8e: {  	[spmem:s0] =	stream.linear.scatter [tilespmem:s30], [sflag:$0x6], $0x2800, $0x38;
	[tilespmem:$0x1D000] =	vst v63  }
0x8f: {  	_ =	swait.ge [sflag:s31], $0x2800  }
0x90: {  	[sflag:s31] =	ssyncset.done $0x0  }
0x91: {  	s17 =	rddreg [dreg:$0x11];
	[sflag:s31] =	ssyncadd.s32 $0xFFFFD800  }
0x92: {  	[spmem:s17] =	stream.linear.scatter [tilespmem:s30], [sflag:$0x6], $0x2800, $0x38;
	[tilespmem:$0x1D000] =	vst v63  }
0x93: {  	_ =	swait.ge [sflag:s31], $0x2800  }
0x94: {  	[sflag:s31] =	ssyncset.done $0x0  }
0x95: {  	s25 =	rddreg [dreg:$0x12];
	[sflag:s31] =	ssyncadd.s32 $0xFFFFD800  }
0x96: {  	[spmem:s25] =	stream.linear.scatter [tilespmem:s30], [sflag:$0x6], $0x2800, $0x38;
	[tilespmem:$0x1D000] =	vst v63  }
0x97: {  	_ =	swait.ge [sflag:s31], $0x2800  }
0x98: {  	[sflag:s31] =	ssyncset.done $0x0  }
0x99: {  	s26 =	rddreg [dreg:$0x13];
	[sflag:s31] =	ssyncadd.s32 $0xFFFFD800  }
0x9a: {  	[spmem:s26] =	stream.linear.scatter [tilespmem:s30], [sflag:$0x6], $0x2800, $0x38;
	[tilespmem:$0x1D000] =	vst v63  }
0x9b: {  	_ =	swait.ge [sflag:s31], $0x2800  }
0x9c: {  	[sflag:s31] =	ssyncset.done $0x0  }
0x9d: {  	s12 =	rddreg [dreg:$0x14];
	[sflag:s31] =	ssyncadd.s32 $0xFFFFD800  }
0x9e: {  	[spmem:s12] =	stream.linear.scatter [tilespmem:s30], [sflag:$0x6], $0x2800, $0x38;
	[tilespmem:$0x1D000] =	vst v63  }
0x9f: {  	_ =	swait.ge [sflag:s31], $0x2800  }
0xa0: {  	[sflag:s31] =	ssyncset.done $0x0  }
0xa1: {  	[sflag:s31] =	ssyncadd.s32 $0xFFFFD800  }
0xa2: {  	[bflag:$0x0] =	sbarrier.arrive $0xFFFF  }
0xa3: {  	s12 =	simm.s32 $0x0;
	s14 =	rddreg [dreg:$0x17]  }
0xa4: {  	[tilespmem:s12], [sflag:$0x6] =	stream.linear.gather [hbm4b:s14+s12], $0x400, $0x38;
	[tilespmem:$0x1D000] =	vst v63  }
0xa5: {  	_ =	swait.ge [sflag:s31], $0x400  }
0xa6: {  	[sflag:s31] =	ssyncset.done $0x0;
	s17 =	rddreg [dreg:$0xb]  }
0xa7: {  	s25 =	simm.s32 $0x400;
	[sflag:s31] =	ssyncadd.s32 $0xFFFFFC00;
	s14 =	sadd.s32 s17, s15  }
0xa8: {  	[tilespmem:s25], [sflag:$0x6] =	stream.linear.gather [hbm4b:s14+s12], $0x400, $0x38;
	[tilespmem:$0x1D000] =	vst v63  }
0xa9: {  	_ =	swait.ge [sflag:s31], $0x400  }
0xaa: {  	[sflag:s31] =	ssyncset.done $0x0;
	s26 =	rddreg [dreg:$0x16]  }
0xab: {  	s14 =	rddreg [dreg:$0x15];
	[sflag:s31] =	ssyncadd.s32 $0xFFFFFC00;
	s17 =	sadd.s32 s15, s26  }
0xac: {  	[tilespmem:s30], [sflag:$0x1] =	stream.indirect.gather [hbm4b:s5+s2], $0x80, s12, s2, $0xb8;
	[tilespmem:$0x1D000] =	vst v63  }
.LBB2_4:
0xad: {  	s0 =	sadd.s32 s12, s29  }
0xae: {  	[tilespmem:s6], [sflag:$0x5] =	stream.linear.gather [hbm4b:s0+s3], $0x400, $0x38;
	[tilespmem:$0x1D000] =	vst v63  }
0xaf: {  	s25 =	sadd.s32 s12, s17  }
0xb0: {  	[tilespmem:s7], [sflag:$0x5] =	stream.linear.gather [hbm4b:s25+s3], $0x400, $0x38;
	[tilespmem:$0x1D000] =	vst v63  }
0xb1: {  	_ =	swait.ge [sflag:s8], $0x3E80  }
0xb2: {  	p0 =	seq.s32 s12, $0x0;
	[sflag:s8] =	ssyncset.done $0x0  }
0xb3: {  	s26 =	simm.s32 $0x400;
	s0 =	simm.s32 @!p0 $0x4;
	[sflag:s8] =	ssyncadd.s32 $0xFFFFC180  }
0xb4: {  	[spmem:s1] =	stream.indirect.scatter.add.f32 [tilespmem:s30], [sflag:$0x3], $0x80, s26, s2, $0xb8;
	[tilespmem:$0x1D000] =	vst v63  }
0xb5: {  	_ =	swait.ge @!p0 [sflag:s0], $0x3E80  }
0xb6: {  	[sflag:s0] =	ssyncset.done @!p0 $0x0  }
0xb7: {  	s25 =	simm.s32 $0x80;
	[sflag:s0] =	ssyncadd.s32 @!p0 $0xFFFFC180  }
0xb8: {  	[tilespmem:s10], [sflag:$0x2] =	stream.indirect.gather [hbm4b:s5+s2], $0x80, s25, s2, $0xb8;
	[tilespmem:$0x1D000] =	vst v63  }
0xb9: {  	_ =	swait.ge [sflag:s11], $0x3E80  }
0xba: {  	[sflag:s11] =	ssyncset.done $0x0  }
0xbb: {  	s26 =	simm.s32 $0x480;
	[sflag:s11] =	ssyncadd.s32 $0xFFFFC180  }
0xbc: {  	[spmem:s1] =	stream.indirect.scatter.add.f32 [tilespmem:s10], [sflag:$0x4], $0x80, s26, s2, $0xb8;
	[tilespmem:$0x1D000] =	vst v63  }
0xbd: {  	_ =	swait.ge [sflag:s13], $0x3E80  }
0xbe: {  	[sflag:s13] =	ssyncset.done $0x0  }
0xbf: {  	s25 =	simm.s32 $0x100;
	[sflag:s13] =	ssyncadd.s32 $0xFFFFC180  }
0xc0: {  	[tilespmem:s30], [sflag:$0x1] =	stream.indirect.gather [hbm4b:s5+s2], $0x80, s25, s2, $0xb8;
	[tilespmem:$0x1D000] =	vst v63  }
0xc1: {  	_ =	swait.ge [sflag:s8], $0x3E80  }
0xc2: {  	[sflag:s8] =	ssyncset.done $0x0  }
0xc3: {  	s26 =	simm.s32 $0x500;
	[sflag:s8] =	ssyncadd.s32 $0xFFFFC180  }
0xc4: {  	[spmem:s1] =	stream.indirect.scatter.add.f32 [tilespmem:s30], [sflag:$0x3], $0x80, s26, s2, $0xb8;
	[tilespmem:$0x1D000] =	vst v63  }
0xc5: {  	_ =	swait.ge [sflag:s28], $0x3E80  }
0xc6: {  	[sflag:s28] =	ssyncset.done $0x0  }
0xc7: {  	s25 =	simm.s32 $0x180;
	[sflag:s28] =	ssyncadd.s32 $0xFFFFC180  }
0xc8: {  	[tilespmem:s10], [sflag:$0x2] =	stream.indirect.gather [hbm4b:s5+s2], $0x80, s25, s2, $0xb8;
	[tilespmem:$0x1D000] =	vst v63  }
0xc9: {  	_ =	swait.ge [sflag:s11], $0x3E80  }
0xca: {  	[sflag:s11] =	ssyncset.done $0x0  }
0xcb: {  	s26 =	simm.s32 $0x580;
	[sflag:s11] =	ssyncadd.s32 $0xFFFFC180  }
0xcc: {  	[spmem:s1] =	stream.indirect.scatter.add.f32 [tilespmem:s10], [sflag:$0x4], $0x80, s26, s2, $0xb8;
	[tilespmem:$0x1D000] =	vst v63  }
0xcd: {  	_ =	swait.ge [sflag:s13], $0x3E80  }
0xce: {  	[sflag:s13] =	ssyncset.done $0x0  }
0xcf: {  	s25 =	simm.s32 $0x200;
	[sflag:s13] =	ssyncadd.s32 $0xFFFFC180  }
0xd0: {  	[tilespmem:s30], [sflag:$0x1] =	stream.indirect.gather [hbm4b:s5+s2], $0x80, s25, s2, $0xb8;
	[tilespmem:$0x1D000] =	vst v63  }
0xd1: {  	_ =	swait.ge [sflag:s8], $0x3E80  }
0xd2: {  	[sflag:s8] =	ssyncset.done $0x0  }
0xd3: {  	s26 =	simm.s32 $0x600;
	[sflag:s8] =	ssyncadd.s32 $0xFFFFC180  }
0xd4: {  	[spmem:s1] =	stream.indirect.scatter.add.f32 [tilespmem:s30], [sflag:$0x3], $0x80, s26, s2, $0xb8;
	[tilespmem:$0x1D000] =	vst v63  }
0xd5: {  	_ =	swait.ge [sflag:s28], $0x3E80  }
0xd6: {  	[sflag:s28] =	ssyncset.done $0x0  }
0xd7: {  	s25 =	simm.s32 $0x280;
	[sflag:s28] =	ssyncadd.s32 $0xFFFFC180  }
0xd8: {  	[tilespmem:s10], [sflag:$0x2] =	stream.indirect.gather [hbm4b:s5+s2], $0x80, s25, s2, $0xb8;
	[tilespmem:$0x1D000] =	vst v63  }
0xd9: {  	_ =	swait.ge [sflag:s11], $0x3E80  }
0xda: {  	[sflag:s11] =	ssyncset.done $0x0  }
0xdb: {  	s26 =	simm.s32 $0x680;
	[sflag:s11] =	ssyncadd.s32 $0xFFFFC180  }
0xdc: {  	[spmem:s1] =	stream.indirect.scatter.add.f32 [tilespmem:s10], [sflag:$0x4], $0x80, s26, s2, $0xb8;
	[tilespmem:$0x1D000] =	vst v63  }
0xdd: {  	_ =	swait.ge [sflag:s13], $0x3E80  }
0xde: {  	[sflag:s13] =	ssyncset.done $0x0  }
0xdf: {  	s25 =	simm.s32 $0x300;
	[sflag:s13] =	ssyncadd.s32 $0xFFFFC180  }
0xe0: {  	[tilespmem:s30], [sflag:$0x1] =	stream.indirect.gather [hbm4b:s5+s2], $0x80, s25, s2, $0xb8;
	[tilespmem:$0x1D000] =	vst v63  }
0xe1: {  	_ =	swait.ge [sflag:s8], $0x3E80  }
0xe2: {  	[sflag:s8] =	ssyncset.done $0x0  }
0xe3: {  	s26 =	simm.s32 $0x700;
	[sflag:s8] =	ssyncadd.s32 $0xFFFFC180  }
0xe4: {  	[spmem:s1] =	stream.indirect.scatter.add.f32 [tilespmem:s30], [sflag:$0x3], $0x80, s26, s2, $0xb8;
	[tilespmem:$0x1D000] =	vst v63  }
0xe5: {  	_ =	swait.ge [sflag:s28], $0x3E80  }
0xe6: {  	[sflag:s28] =	ssyncset.done $0x0  }
0xe7: {  	s25 =	simm.s32 $0x380;
	[sflag:s28] =	ssyncadd.s32 $0xFFFFC180  }
0xe8: {  	[tilespmem:s10], [sflag:$0x2] =	stream.indirect.gather [hbm4b:s5+s2], $0x80, s25, s2, $0xb8;
	[tilespmem:$0x1D000] =	vst v63  }
0xe9: {  	_ =	swait.ge [sflag:s11], $0x3E80  }
0xea: {  	[sflag:s11] =	ssyncset.done $0x0  }
0xeb: {  	s26 =	simm.s32 $0x780;
	[sflag:s11] =	ssyncadd.s32 $0xFFFFC180  }
0xec: {  	[spmem:s1] =	stream.indirect.scatter.add.f32 [tilespmem:s10], [sflag:$0x4], $0x80, s26, s2, $0xb8;
	[tilespmem:$0x1D000] =	vst v63  }
0xed: {  	_ =	swait.ge [sflag:s13], $0x3E80  }
0xee: {  	[sflag:s13] =	ssyncset.done $0x0  }
0xef: {  	[sflag:s13] =	ssyncadd.s32 $0xFFFFC180  }
0xf0: {  	_ =	swait.ge [sflag:s9], $0x400  }
0xf1: {  	[sflag:s9] =	ssyncset.done $0x0  }
0xf2: {  	[sflag:s9] =	ssyncadd.s32 $0xFFFFFC00  }
0xf3: {  	_ =	swait.ge [sflag:s9], $0x400  }
0xf4: {  	p0 =	seq.s32 s12, $0x400;
	[sflag:s9] =	ssyncset.done $0x0  }
0xf5: {  	s0 =	sshrl.u32 @!p0 s14, $0x3;
	[sflag:s9] =	ssyncadd.s32 $0xFFFFFC00  }
0xf6: {  	[tilespmem:s30], [sflag:$0x1] =	stream.indirect.gather [hbm4b:s5+s2], $0x80, s6, s2, $0xb8;
	[tilespmem:$0x1D000] =	vst v63  }
0xf7: {  	s25 =	sadd.s32 @!p0 s4, s0;
	s26 =	simm.s32 @!p0 $0x0  }
0xf8: {  	[tilespmem:s26], [sflag:$0x5] =	stream.linear.gather @!p0 [hbm4b:s25+s26], $0x400, $0x38;
	[tilespmem:$0x1D000] =	vst v63  }
0xf9: {  	s0 =	sadd.s32 @!p0 s15, s0;
	s25 =	simm.s32 @!p0 $0x400  }
0xfa: {  	[tilespmem:s25], [sflag:$0x5] =	stream.linear.gather @!p0 [hbm4b:s0+s26], $0x400, $0x38;
	[tilespmem:$0x1D000] =	vst v63  }
0xfb: {  	_ =	swait.ge [sflag:s8], $0x3E80  }
0xfc: {  	[sflag:s8] =	ssyncset.done $0x0  }
0xfd: {  	[sflag:s8] =	ssyncadd.s32 $0xFFFFC180  }
0xfe: {  	[spmem:s1] =	stream.indirect.scatter.add.f32 [tilespmem:s30], [sflag:$0x3], $0x80, s7, s2, $0xb8;
	[tilespmem:$0x1D000] =	vst v63  }
0xff: {  	_ =	swait.ge [sflag:s28], $0x3E80  }
0x100: {  	[sflag:s28] =	ssyncset.done $0x0  }
0x101: {  	s25 =	simm.s32 $0x880;
	[sflag:s28] =	ssyncadd.s32 $0xFFFFC180  }
0x102: {  	[tilespmem:s10], [sflag:$0x2] =	stream.indirect.gather [hbm4b:s5+s2], $0x80, s25, s2, $0xb8;
	[tilespmem:$0x1D000] =	vst v63  }
0x103: {  	_ =	swait.ge [sflag:s11], $0x3E80  }
0x104: {  	[sflag:s11] =	ssyncset.done $0x0  }
0x105: {  	s26 =	simm.s32 $0xC80;
	[sflag:s11] =	ssyncadd.s32 $0xFFFFC180  }
0x106: {  	[spmem:s1] =	stream.indirect.scatter.add.f32 [tilespmem:s10], [sflag:$0x4], $0x80, s26, s2, $0xb8;
	[tilespmem:$0x1D000] =	vst v63  }
0x107: {  	_ =	swait.ge [sflag:s13], $0x3E80  }
0x108: {  	[sflag:s13] =	ssyncset.done $0x0  }
0x109: {  	s25 =	simm.s32 $0x900;
	[sflag:s13] =	ssyncadd.s32 $0xFFFFC180  }
0x10a: {  	[tilespmem:s30], [sflag:$0x1] =	stream.indirect.gather [hbm4b:s5+s2], $0x80, s25, s2, $0xb8;
	[tilespmem:$0x1D000] =	vst v63  }
0x10b: {  	_ =	swait.ge [sflag:s8], $0x3E80  }
0x10c: {  	[sflag:s8] =	ssyncset.done $0x0  }
0x10d: {  	s26 =	simm.s32 $0xD00;
	[sflag:s8] =	ssyncadd.s32 $0xFFFFC180  }
0x10e: {  	[spmem:s1] =	stream.indirect.scatter.add.f32 [tilespmem:s30], [sflag:$0x3], $0x80, s26, s2, $0xb8;
	[tilespmem:$0x1D000] =	vst v63  }
0x10f: {  	_ =	swait.ge [sflag:s28], $0x3E80  }
0x110: {  	[sflag:s28] =	ssyncset.done $0x0  }
0x111: {  	s25 =	simm.s32 $0x980;
	[sflag:s28] =	ssyncadd.s32 $0xFFFFC180  }
0x112: {  	[tilespmem:s10], [sflag:$0x2] =	stream.indirect.gather [hbm4b:s5+s2], $0x80, s25, s2, $0xb8;
	[tilespmem:$0x1D000] =	vst v63  }
0x113: {  	_ =	swait.ge [sflag:s11], $0x3E80  }
0x114: {  	[sflag:s11] =	ssyncset.done $0x0  }
0x115: {  	s26 =	simm.s32 $0xD80;
	[sflag:s11] =	ssyncadd.s32 $0xFFFFC180  }
0x116: {  	[spmem:s1] =	stream.indirect.scatter.add.f32 [tilespmem:s10], [sflag:$0x4], $0x80, s26, s2, $0xb8;
	[tilespmem:$0x1D000] =	vst v63  }
0x117: {  	_ =	swait.ge [sflag:s13], $0x3E80  }
0x118: {  	[sflag:s13] =	ssyncset.done $0x0  }
0x119: {  	[sflag:s13] =	ssyncadd.s32 $0xFFFFC180  }
0x11a: {  	[tilespmem:s30], [sflag:$0x1] =	stream.indirect.gather [hbm4b:s5+s2], $0x80, s16, s2, $0xb8;
	[tilespmem:$0x1D000] =	vst v63  }
0x11b: {  	_ =	swait.ge [sflag:s8], $0x3E80  }
0x11c: {  	[sflag:s8] =	ssyncset.done $0x0  }
0x11d: {  	[sflag:s8] =	ssyncadd.s32 $0xFFFFC180  }
0x11e: {  	[spmem:s1] =	stream.indirect.scatter.add.f32 [tilespmem:s30], [sflag:$0x3], $0x80, s18, s2, $0xb8;
	[tilespmem:$0x1D000] =	vst v63  }
0x11f: {  	_ =	swait.ge [sflag:s28], $0x3E80  }
0x120: {  	[sflag:s28] =	ssyncset.done $0x0  }
0x121: {  	[sflag:s28] =	ssyncadd.s32 $0xFFFFC180  }
0x122: {  	[tilespmem:s10], [sflag:$0x2] =	stream.indirect.gather [hbm4b:s5+s2], $0x80, s19, s2, $0xb8;
	[tilespmem:$0x1D000] =	vst v63  }
0x123: {  	_ =	swait.ge [sflag:s11], $0x3E80  }
0x124: {  	[sflag:s11] =	ssyncset.done $0x0  }
0x125: {  	[sflag:s11] =	ssyncadd.s32 $0xFFFFC180  }
0x126: {  	[spmem:s1] =	stream.indirect.scatter.add.f32 [tilespmem:s10], [sflag:$0x4], $0x80, s20, s2, $0xb8;
	[tilespmem:$0x1D000] =	vst v63  }
0x127: {  	_ =	swait.ge [sflag:s13], $0x3E80  }
0x128: {  	[sflag:s13] =	ssyncset.done $0x0  }
0x129: {  	[sflag:s13] =	ssyncadd.s32 $0xFFFFC180  }
0x12a: {  	[tilespmem:s30], [sflag:$0x1] =	stream.indirect.gather [hbm4b:s5+s2], $0x80, s21, s2, $0xb8;
	[tilespmem:$0x1D000] =	vst v63  }
0x12b: {  	_ =	swait.ge [sflag:s8], $0x3E80  }
0x12c: {  	[sflag:s8] =	ssyncset.done $0x0  }
0x12d: {  	[sflag:s8] =	ssyncadd.s32 $0xFFFFC180  }
0x12e: {  	[spmem:s1] =	stream.indirect.scatter.add.f32 [tilespmem:s30], [sflag:$0x3], $0x80, s22, s2, $0xb8;
	[tilespmem:$0x1D000] =	vst v63  }
0x12f: {  	_ =	swait.ge [sflag:s28], $0x3E80  }
0x130: {  	[sflag:s28] =	ssyncset.done $0x0  }
0x131: {  	[sflag:s28] =	ssyncadd.s32 $0xFFFFC180  }
0x132: {  	[tilespmem:s10], [sflag:$0x2] =	stream.indirect.gather [hbm4b:s5+s2], $0x80, s23, s2, $0xb8;
	[tilespmem:$0x1D000] =	vst v63  }
0x133: {  	_ =	swait.ge [sflag:s11], $0x3E80  }
0x134: {  	[sflag:s11] =	ssyncset.done $0x0  }
.Ltmp3:
0x135: {  	[sflag:s11] =	ssyncadd.s32 $0xFFFFC180;
	(pc) =	sbr.rel @p0 .LBB2_6-.Ltmp3, $4  }
0x136: {  	[spmem:s1] =	stream.indirect.scatter.add.f32 [tilespmem:s10], [sflag:$0x4], $0x80, s24, s2, $0xb8;
	[tilespmem:$0x1D000] =	vst v63  }
0x137: {  	_ =	swait.ge [sflag:s13], $0x3E80  }
0x138: {  	[sflag:s13] =	ssyncset.done $0x0  }
0x139: {  	[sflag:s13] =	ssyncadd.s32 $0xFFFFC180  }
0x13a: {  	_ =	swait.ge [sflag:s9], $0x400  }
0x13b: {  	[sflag:s9] =	ssyncset.done $0x0  }
.Ltmp4:
0x13c: {  	[sflag:s9] =	ssyncadd.s32 $0xFFFFFC00;
	(pc) =	sbr.rel .LBB2_4-.Ltmp4, $4  }
0x13d: {  	_ =	swait.ge [sflag:s9], $0x400  }
0x13e: {  	[sflag:s9] =	ssyncset.done $0x0  }
0x13f: {  	s12 =	sadd.s32 $0x100, s12;
	s14 =	sadd.s32 $0x800, s14;
	[sflag:s9] =	ssyncadd.s32 $0xFFFFFC00  }
0x140: {  	[tilespmem:s30], [sflag:$0x1] =	stream.indirect.gather [hbm4b:s5+s2], $0x80, s3, s2, $0xb8;
	[tilespmem:$0x1D000] =	vst v63  }
.LBB2_7:
0x141: {  	_ =	sfence.sel $0x180000  }
0x142: {  	[bflag:$0x0] =	sbarrier.arrive $0xFFFF  }
0x143: {  	_ =	strace $0x90000047  }
0x144: {  	s0 =	stileid.u32;
	[bflag:$0x2] =	sbarrier.arrive $0xFFFF  }
0x145: {  	p0 =	sne.s32 s0, $0x0;
	s0 =	rddreg [dreg:$0x2]  }
0x146: {  	s0 =	sadd.s32 @!p0 $0x100000, s0  }
0x147: {  	[sflag:s0] =	ssyncadd.tile.s32 @!p0 $0x1;
	_ =	shalt  }
.Lfunc_end2:
_tile_overlayer_lowered:
.L_overlay_start_2:
0x148: {  	(tag) =	ssettag $0x2  }
0x149: {  	s0 =	rddreg [dreg:$0x0];
	s2 =	stileid.u32  }
0x14a: {  	s1 =	rddreg [dreg:$0x1];
	p0 =	sne.s32 s2, $0x0  }
0x14b: {  	s3 =	rddreg [dreg:$0x2];
	[bflag:$0x3] =	sbarrier.arrive $0xFFFF;
	s2 =	simm.s32 @!p0 $0x1C06  }
0x14c: {  	[timem:s3], [sflag:s2] =	dma.local @!p0 [hbm:s0], s1  }
0x14d: {  	s0 =	simm.s32 @!p0 $0x6  }
0x14e: {  	_ =	swait.ge @!p0 [sflag:s0], s1  }
0x14f: {  	s1 =	ssub.s32 @!p0 $0x0, s1;
	[sflag:s0] =	ssyncset.done @!p0 $0x0  }
0x150: {  	[sflag:s0] =	ssyncadd.s32 @!p0 s1  }
0x151: {  	[bflag:$0x3] =	sbarrier.arrive $0xFFFF  }
0x152: {  	_ =	shalt  }

</sc_bundles>
